<compile_context>
chip_gen: v7x
topology: tpu7x:2x2x1
jax: 0.10.2.dev20260603
libtpu: 0.0.44.dev20260713+nightly
codegen_flags: <defaults>
</compile_context>

<pallas_src>
import functools

import jax
import jax.numpy as jnp
from jax import lax
from jax.experimental import pallas as pl
from jax.experimental.pallas import tpu as pltpu
from jax.experimental.pallas import tpu_sc as plsc

BATCH = 4
SEQ = 4096
D_MODEL = 1024
N_TOKENS = BATCH * SEQ
NUM_WORKERS = 32
PER_WORKER = N_TOKENS // NUM_WORKERS
W_PER_BATCH = SEQ // PER_WORKER

_SIZES = [64, 56, 64, 56, 64, 56, 64, 56, 32]
_OFFS = [sum(_SIZES[:i]) for i in range(len(_SIZES))]
assert sum(_SIZES) == PER_WORKER
NUM_CHUNKS = len(_SIZES)

_mesh = plsc.VectorSubcoreMesh(core_axis_name="c", subcore_axis_name="s")


@functools.partial(
    pl.kernel,
    mesh=_mesh,
    out_type=jax.ShapeDtypeStruct((BATCH, SEQ, D_MODEL), jnp.float32),
    scratch_types=[
        pltpu.VMEM((PER_WORKER,), jnp.int32),
        pltpu.VMEM((64, D_MODEL), jnp.float32),
        pltpu.VMEM((56, D_MODEL), jnp.float32),
        pltpu.SemaphoreType.DMA,
        pltpu.SemaphoreType.DMA,
        pltpu.SemaphoreType.DMA,
        pltpu.SemaphoreType.DMA,
    ],
)
def _gather_rows(table_hbm, ids_hbm, out_hbm, idx_v, buf0, buf1,
                 gsem0, gsem1, osem0, osem1):
    bufs = (buf0, buf1)
    gsems = (gsem0, gsem1)
    osems = (osem0, osem1)
    wid = lax.axis_index("s") * 2 + lax.axis_index("c")
    b = wid // W_PER_BATCH
    row0 = (wid % W_PER_BATCH) * PER_WORKER
    pltpu.sync_copy(ids_hbm.at[b, pl.ds(row0, PER_WORKER)], idx_v)

    def gather(j):
        idx_slice = idx_v.at[pl.ds(_OFFS[j], _SIZES[j])]
        dst = bufs[j % 2].at[pl.ds(0, _SIZES[j])]
        return pltpu.async_copy(table_hbm.at[idx_slice], dst, gsems[j % 2])

    def put(j):
        src = bufs[j % 2].at[pl.ds(0, _SIZES[j])]
        dst = out_hbm.at[b, pl.ds(row0 + _OFFS[j], _SIZES[j])]
        return pltpu.async_copy(src, dst, osems[j % 2])

    g = [None] * NUM_CHUNKS
    o = [None] * NUM_CHUNKS
    g[0] = gather(0)
    for j in range(NUM_CHUNKS):
        if j + 1 < NUM_CHUNKS:
            if j - 1 >= 0:
                o[j - 1].wait()
            g[j + 1] = gather(j + 1)
        g[j].wait()
        o[j] = put(j)
    o[NUM_CHUNKS - 2].wait()
    o[NUM_CHUNKS - 1].wait()


def kernel(input_ids, input_mask, weight):
    del input_mask
    return _gather_rows(weight, input_ids.astype(jnp.int32))

# --- scband reference (transcript-rebuilt; emitter-appended) ---
"""Pipeline reference for scband-embedding-54614804136614 (READ-ONLY COPY).

The authoritative reference and input builder live on the scoring server;
editing this copy changes nothing except your own understanding.
"""

import jax, jax.numpy as jnp
import numpy as np

VOCAB = 100000
D_MODEL = 1024
B = 4
S = 4096
PAD_IDX = 0


def setup_inputs(seed: int = 0) -> dict:
    key = jax.random.key(seed)
    k1, k2 = jax.random.split(key)
    input_ids = jax.random.randint(k1, (B, S), 0, VOCAB)
    input_mask = jnp.ones((B, S), dtype=bool)
    # embedding table; padding_idx row initialized to zero like nn.Embedding(padding_idx=...)
    weight = jax.random.normal(k2, (VOCAB, D_MODEL), dtype=jnp.float32)
    weight = weight.at[PAD_IDX].set(0.0)
    return {"input_ids": input_ids, "input_mask": input_mask, "weight": weight}


def reference(input_ids, input_mask, weight):
    # store is None in a standalone module, so the past_length bookkeeping
    # (cumsum over input_mask) is a no-op; forward is a pure embedding gather.
    input_embeds = jnp.take(weight, input_ids, axis=0)
    return input_embeds

if __name__ == "__main__":
    import jax
    _d = setup_inputs()
    print(jax.jit(kernel)(*tuple(_d.values())))

</pallas_src>

<mosaic_0001>
#map = affine_map<(d0, d1) -> (0, 0)>
#map1 = affine_map<(d0, d1) -> (0, 0, 0)>
module attributes {stable_mosaic.version = 14 : i64} {
  func.func @_gather_rows(%arg0: i32, %arg1: i32, %arg2: memref<100000x1024xf32, #tpu.memory_space<hbm>>, %arg3: memref<4x4096xi32, #tpu.memory_space<hbm>>, %arg4: memref<4x4096x1024xf32, #tpu.memory_space<hbm>>, %arg5: memref<512xi32, #tpu.memory_space<vmem>>, %arg6: memref<64x1024xf32, #tpu.memory_space<vmem>>, %arg7: memref<56x1024xf32, #tpu.memory_space<vmem>>, %arg8: memref<!tpu.dma_semaphore, #tpu.memory_space<semaphore_mem>>, %arg9: memref<!tpu.dma_semaphore, #tpu.memory_space<semaphore_mem>>, %arg10: memref<!tpu.dma_semaphore, #tpu.memory_space<semaphore_mem>>, %arg11: memref<!tpu.dma_semaphore, #tpu.memory_space<semaphore_mem>>) attributes {dimension_semantics = [#tpu.dimension_semantics<core_parallel>, #tpu.dimension_semantics<subcore_parallel>], iteration_bounds = array<i64: 2, 16>, scalar_prefetch = 0 : i64, scratch_operands = 7 : i64, tpu.core_type = #tpu.core_type<sc_vector_subcore>, window_params = [{transform_indices = #map}, {transform_indices = #map}, {transform_indices = #map1}]} {
    %mul3A = arith.constant 2 : i32
    %mul3A_0 = arith.muli %arg1, %mul3A : i32
    %add3A = arith.addi %mul3A_0, %arg0 : i32
    %jit3A = arith.constant 8 : i32
    %div3A = arith.divsi %add3A, %jit3A : i32
    %sign3A = arith.constant 0 : i32
    %sign3A_1 = arith.cmpi sgt, %add3A, %sign3A : i32
    %sign3A_2 = arith.extui %sign3A_1 : i1 to i32
    %sign3A_3 = arith.constant 0 : i32
    %sign3A_4 = arith.cmpi slt, %add3A, %sign3A_3 : i32
    %sign3A_5 = arith.extui %sign3A_4 : i1 to i32
    %sign3A_6 = arith.subi %sign3A_2, %sign3A_5 : i32
    %sign3A_7 = arith.constant 0 : i32
    %sign3A_8 = arith.cmpi sgt, %jit3A, %sign3A_7 : i32
    %sign3A_9 = arith.extui %sign3A_8 : i1 to i32
    %sign3A_10 = arith.constant 0 : i32
    %sign3A_11 = arith.cmpi slt, %jit3A, %sign3A_10 : i32
    %sign3A_12 = arith.extui %sign3A_11 : i1 to i32
    %sign3A_13 = arith.subi %sign3A_9, %sign3A_12 : i32
    %ne3A = arith.cmpi ne, %sign3A_6, %sign3A_13 : i32
    %rem3A = arith.remsi %add3A, %jit3A : i32
    %ne3A_14 = arith.constant 0 : i32
    %ne3A_15 = arith.cmpi ne, %rem3A, %ne3A_14 : i32
    %and3A = arith.andi %ne3A, %ne3A_15 : i1
    %sub3A = arith.constant 1 : i32
    %sub3A_16 = arith.subi %div3A, %sub3A : i32
    %select_n3A = arith.select %and3A, %sub3A_16, %div3A : i32
    %jit3A_17 = arith.constant 8 : i32
    %eq3A = arith.constant 0 : i32
    %eq3A_18 = arith.cmpi eq, %jit3A_17, %eq3A : i32
    %jit3A_19 = arith.constant 1 : i32
    %select_n3A_20 = arith.select %eq3A_18, %jit3A_19, %jit3A_17 : i32
    %rem3A_21 = arith.remsi %add3A, %select_n3A_20 : i32
    %ne3A_22 = arith.constant 0 : i32
    %ne3A_23 = arith.cmpi ne, %rem3A_21, %ne3A_22 : i32
    %lt3A = arith.constant 0 : i32
    %lt3A_24 = arith.cmpi slt, %rem3A_21, %lt3A : i32
    %lt3A_25 = arith.constant 0 : i32
    %lt3A_26 = arith.cmpi slt, %select_n3A_20, %lt3A_25 : i32
    %ne3A_27 = arith.xori %lt3A_24, %lt3A_26 : i1
    %and3A_28 = arith.andi %ne3A_27, %ne3A_23 : i1
    %add3A_29 = arith.addi %rem3A_21, %select_n3A_20 : i32
    %select_n3A_30 = arith.select %and3A_28, %add3A_29, %rem3A_21 : i32
    %mul3A_31 = arith.constant 512 : i32
    %mul3A_32 = arith.muli %select_n3A_30, %mul3A_31 : i32
    "tpu.region"() ({
      %run_scoped3A = tpu.sem_alloc : memref<!tpu.dma_semaphore, #tpu.memory_space<semaphore_mem>>
      %dma_start3A_409 = tpu.memref_slice %arg3[%select_n3A, %mul3A_32] : memref<4x4096xi32, #tpu.memory_space<hbm>> -> memref<1x512xi32, #tpu.memory_space<hbm>>
      %dma_start3A_410 = tpu.memref_squeeze %dma_start3A_409 : memref<1x512xi32, #tpu.memory_space<hbm>> -> memref<512xi32, #tpu.memory_space<hbm>>
      %dma_start3A_411 = tpu.memref_slice %arg3[%select_n3A, %mul3A_32] : memref<4x4096xi32, #tpu.memory_space<hbm>> -> memref<1x512xi32, #tpu.memory_space<hbm>>
      %dma_start3A_412 = tpu.memref_squeeze %dma_start3A_411 : memref<1x512xi32, #tpu.memory_space<hbm>> -> memref<512xi32, #tpu.memory_space<hbm>>
      tpu.enqueue_dma source(%dma_start3A_412 : memref<512xi32, #tpu.memory_space<hbm>>) target(%arg5 : memref<512xi32, #tpu.memory_space<vmem>>) target_semaphore(%run_scoped3A : memref<!tpu.dma_semaphore, #tpu.memory_space<semaphore_mem>>)
      %dma_wait3A_413 = tpu.memref_slice %arg3[%select_n3A, %mul3A_32] : memref<4x4096xi32, #tpu.memory_space<hbm>> -> memref<1x512xi32, #tpu.memory_space<hbm>>
      %dma_wait3A_414 = tpu.memref_squeeze %dma_wait3A_413 : memref<1x512xi32, #tpu.memory_space<hbm>> -> memref<512xi32, #tpu.memory_space<hbm>>
      %dma_wait3A_415 = tpu.memref_slice %arg3[%select_n3A, %mul3A_32] : memref<4x4096xi32, #tpu.memory_space<hbm>> -> memref<1x512xi32, #tpu.memory_space<hbm>>
      %dma_wait3A_416 = tpu.memref_squeeze %dma_wait3A_415 : memref<1x512xi32, #tpu.memory_space<hbm>> -> memref<512xi32, #tpu.memory_space<hbm>>
      tpu.wait_dma2 semaphore(%run_scoped3A : memref<!tpu.dma_semaphore, #tpu.memory_space<semaphore_mem>>) src(%dma_wait3A_416 : memref<512xi32, #tpu.memory_space<hbm>>) dst(%arg5 : memref<512xi32, #tpu.memory_space<vmem>>)
      tpu.yield
    }) : () -> ()
    %dma_start3A = arith.constant 0 : i32
    %dma_start3A_33 = arith.constant 0 : i32
    %dma_start3A_34 = tpu.memref_slice %arg6[%dma_start3A, %dma_start3A_33] : memref<64x1024xf32, #tpu.memory_space<vmem>> -> memref<64x1024xf32, #tpu.memory_space<vmem>>
    %dma_start3A_35 = arith.constant 0 : i32
    %dma_start3A_36 = tpu.memref_slice %arg5[%dma_start3A_35] : memref<512xi32, #tpu.memory_space<vmem>> -> memref<64xi32, #tpu.memory_space<vmem>>
    %dma_start3A_37 = arith.constant 0 : i32
    %dma_start3A_38 = arith.constant 0 : i32
    %dma_start3A_39 = tpu.memref_slice %arg2[%dma_start3A_37, %dma_start3A_38] : memref<100000x1024xf32, #tpu.memory_space<hbm>> -> memref<100000x1024xf32, #tpu.memory_space<hbm>>
    tpu.enqueue_indirect_dma source(%dma_start3A_39 : memref<100000x1024xf32, #tpu.memory_space<hbm>>) target(%dma_start3A_34 : memref<64x1024xf32, #tpu.memory_space<vmem>>) offsets(%dma_start3A_36 : memref<64xi32, #tpu.memory_space<vmem>>) semaphore(%arg8 : memref<!tpu.dma_semaphore, #tpu.memory_space<semaphore_mem>>)
    %dma_start3A_40 = arith.constant 0 : i32
    %dma_start3A_41 = arith.constant 0 : i32
    %dma_start3A_42 = tpu.memref_slice %arg7[%dma_start3A_40, %dma_start3A_41] : memref<56x1024xf32, #tpu.memory_space<vmem>> -> memref<56x1024xf32, #tpu.memory_space<vmem>>
    %dma_start3A_43 = arith.constant 64 : i32
    %dma_start3A_44 = tpu.memref_slice %arg5[%dma_start3A_43] : memref<512xi32, #tpu.memory_space<vmem>> -> memref<56xi32, #tpu.memory_space<vmem>>
    %dma_start3A_45 = arith.constant 0 : i32
    %dma_start3A_46 = arith.constant 0 : i32
    %dma_start3A_47 = tpu.memref_slice %arg2[%dma_start3A_45, %dma_start3A_46] : memref<100000x1024xf32, #tpu.memory_space<hbm>> -> memref<100000x1024xf32, #tpu.memory_space<hbm>>
    tpu.enqueue_indirect_dma source(%dma_start3A_47 : memref<100000x1024xf32, #tpu.memory_space<hbm>>) target(%dma_start3A_42 : memref<56x1024xf32, #tpu.memory_space<vmem>>) offsets(%dma_start3A_44 : memref<56xi32, #tpu.memory_space<vmem>>) semaphore(%arg9 : memref<!tpu.dma_semaphore, #tpu.memory_space<semaphore_mem>>)
    %dma_wait3A = arith.constant 0 : i32
    %dma_wait3A_48 = arith.constant 0 : i32
    %dma_wait3A_49 = tpu.memref_slice %arg6[%dma_wait3A, %dma_wait3A_48] : memref<64x1024xf32, #tpu.memory_space<vmem>> -> memref<64x1024xf32, #tpu.memory_space<vmem>>
    %dma_wait3A_50 = arith.constant 0 : i32
    %dma_wait3A_51 = tpu.memref_slice %arg5[%dma_wait3A_50] : memref<512xi32, #tpu.memory_space<vmem>> -> memref<64xi32, #tpu.memory_space<vmem>>
    %dma_wait3A_52 = arith.constant 0 : i32
    %dma_wait3A_53 = arith.constant 0 : i32
    %dma_wait3A_54 = tpu.memref_slice %arg2[%dma_wait3A_52, %dma_wait3A_53] : memref<100000x1024xf32, #tpu.memory_space<hbm>> -> memref<100000x1024xf32, #tpu.memory_space<hbm>>
    tpu.wait_indirect_dma semaphore(%arg8 : memref<!tpu.dma_semaphore, #tpu.memory_space<semaphore_mem>>) src(%dma_wait3A_54 : memref<100000x1024xf32, #tpu.memory_space<hbm>>) dst(%dma_wait3A_49 : memref<64x1024xf32, #tpu.memory_space<vmem>>)
    %add3A_55 = arith.constant 0 : i32
    %add3A_56 = arith.addi %mul3A_32, %add3A_55 : i32
    %dma_start3A_57 = arith.constant 0 : i32
    %dma_start3A_58 = arith.constant 0 : i32
    %dma_start3A_59 = tpu.memref_slice %arg6[%dma_start3A_57, %dma_start3A_58] : memref<64x1024xf32, #tpu.memory_space<vmem>> -> memref<64x1024xf32, #tpu.memory_space<vmem>>
    %dma_start3A_60 = arith.constant 0 : i32
    %dma_start3A_61 = tpu.memref_slice %arg4[%select_n3A, %add3A_56, %dma_start3A_60] : memref<4x4096x1024xf32, #tpu.memory_space<hbm>> -> memref<1x64x1024xf32, #tpu.memory_space<hbm>>
    %dma_start3A_62 = tpu.memref_squeeze %dma_start3A_61 : memref<1x64x1024xf32, #tpu.memory_space<hbm>> -> memref<64x1024xf32, #tpu.memory_space<hbm>>
    %dma_start3A_63 = arith.constant 0 : i32
    %dma_start3A_64 = tpu.memref_slice %arg4[%select_n3A, %add3A_56, %dma_start3A_63] : memref<4x4096x1024xf32, #tpu.memory_space<hbm>> -> memref<1x64x1024xf32, #tpu.memory_space<hbm>>
    %dma_start3A_65 = tpu.memref_squeeze %dma_start3A_64 : memref<1x64x1024xf32, #tpu.memory_space<hbm>> -> memref<64x1024xf32, #tpu.memory_space<hbm>>
    %dma_start3A_66 = arith.constant 0 : i32
    %dma_start3A_67 = arith.constant 0 : i32
    %dma_start3A_68 = tpu.memref_slice %arg6[%dma_start3A_66, %dma_start3A_67] : memref<64x1024xf32, #tpu.memory_space<vmem>> -> memref<64x1024xf32, #tpu.memory_space<vmem>>
    tpu.enqueue_dma source(%dma_start3A_68 : memref<64x1024xf32, #tpu.memory_space<vmem>>) target(%dma_start3A_65 : memref<64x1024xf32, #tpu.memory_space<hbm>>) target_semaphore(%arg10 : memref<!tpu.dma_semaphore, #tpu.memory_space<semaphore_mem>>)
    %dma_wait3A_69 = arith.constant 0 : i32
    %dma_wait3A_70 = arith.constant 0 : i32
    %dma_wait3A_71 = tpu.memref_slice %arg6[%dma_wait3A_69, %dma_wait3A_70] : memref<64x1024xf32, #tpu.memory_space<vmem>> -> memref<64x1024xf32, #tpu.memory_space<vmem>>
    %dma_wait3A_72 = arith.constant 0 : i32
    %dma_wait3A_73 = tpu.memref_slice %arg4[%select_n3A, %add3A_56, %dma_wait3A_72] : memref<4x4096x1024xf32, #tpu.memory_space<hbm>> -> memref<1x64x1024xf32, #tpu.memory_space<hbm>>
    %dma_wait3A_74 = tpu.memref_squeeze %dma_wait3A_73 : memref<1x64x1024xf32, #tpu.memory_space<hbm>> -> memref<64x1024xf32, #tpu.memory_space<hbm>>
    %dma_wait3A_75 = arith.constant 0 : i32
    %dma_wait3A_76 = tpu.memref_slice %arg4[%select_n3A, %add3A_56, %dma_wait3A_75] : memref<4x4096x1024xf32, #tpu.memory_space<hbm>> -> memref<1x64x1024xf32, #tpu.memory_space<hbm>>
    %dma_wait3A_77 = tpu.memref_squeeze %dma_wait3A_76 : memref<1x64x1024xf32, #tpu.memory_space<hbm>> -> memref<64x1024xf32, #tpu.memory_space<hbm>>
    %dma_wait3A_78 = arith.constant 0 : i32
    %dma_wait3A_79 = arith.constant 0 : i32
    %dma_wait3A_80 = tpu.memref_slice %arg6[%dma_wait3A_78, %dma_wait3A_79] : memref<64x1024xf32, #tpu.memory_space<vmem>> -> memref<64x1024xf32, #tpu.memory_space<vmem>>
    tpu.wait_dma2 semaphore(%arg10 : memref<!tpu.dma_semaphore, #tpu.memory_space<semaphore_mem>>) src(%dma_wait3A_80 : memref<64x1024xf32, #tpu.memory_space<vmem>>) dst(%dma_wait3A_77 : memref<64x1024xf32, #tpu.memory_space<hbm>>)
    %dma_start3A_81 = arith.constant 0 : i32
    %dma_start3A_82 = arith.constant 0 : i32
    %dma_start3A_83 = tpu.memref_slice %arg6[%dma_start3A_81, %dma_start3A_82] : memref<64x1024xf32, #tpu.memory_space<vmem>> -> memref<64x1024xf32, #tpu.memory_space<vmem>>
    %dma_start3A_84 = arith.constant 120 : i32
    %dma_start3A_85 = tpu.memref_slice %arg5[%dma_start3A_84] : memref<512xi32, #tpu.memory_space<vmem>> -> memref<64xi32, #tpu.memory_space<vmem>>
    %dma_start3A_86 = arith.constant 0 : i32
    %dma_start3A_87 = arith.constant 0 : i32
    %dma_start3A_88 = tpu.memref_slice %arg2[%dma_start3A_86, %dma_start3A_87] : memref<100000x1024xf32, #tpu.memory_space<hbm>> -> memref<100000x1024xf32, #tpu.memory_space<hbm>>
    tpu.enqueue_indirect_dma source(%dma_start3A_88 : memref<100000x1024xf32, #tpu.memory_space<hbm>>) target(%dma_start3A_83 : memref<64x1024xf32, #tpu.memory_space<vmem>>) offsets(%dma_start3A_85 : memref<64xi32, #tpu.memory_space<vmem>>) semaphore(%arg8 : memref<!tpu.dma_semaphore, #tpu.memory_space<semaphore_mem>>)
    %dma_wait3A_89 = arith.constant 0 : i32
    %dma_wait3A_90 = arith.constant 0 : i32
    %dma_wait3A_91 = tpu.memref_slice %arg7[%dma_wait3A_89, %dma_wait3A_90] : memref<56x1024xf32, #tpu.memory_space<vmem>> -> memref<56x1024xf32, #tpu.memory_space<vmem>>
    %dma_wait3A_92 = arith.constant 64 : i32
    %dma_wait3A_93 = tpu.memref_slice %arg5[%dma_wait3A_92] : memref<512xi32, #tpu.memory_space<vmem>> -> memref<56xi32, #tpu.memory_space<vmem>>
    %dma_wait3A_94 = arith.constant 0 : i32
    %dma_wait3A_95 = arith.constant 0 : i32
    %dma_wait3A_96 = tpu.memref_slice %arg2[%dma_wait3A_94, %dma_wait3A_95] : memref<100000x1024xf32, #tpu.memory_space<hbm>> -> memref<100000x1024xf32, #tpu.memory_space<hbm>>
    tpu.wait_indirect_dma semaphore(%arg9 : memref<!tpu.dma_semaphore, #tpu.memory_space<semaphore_mem>>) src(%dma_wait3A_96 : memref<100000x1024xf32, #tpu.memory_space<hbm>>) dst(%dma_wait3A_91 : memref<56x1024xf32, #tpu.memory_space<vmem>>)
    %add3A_97 = arith.constant 64 : i32
    %add3A_98 = arith.addi %mul3A_32, %add3A_97 : i32
    %dma_start3A_99 = arith.constant 0 : i32
    %dma_start3A_100 = arith.constant 0 : i32
    %dma_start3A_101 = tpu.memref_slice %arg7[%dma_start3A_99, %dma_start3A_100] : memref<56x1024xf32, #tpu.memory_space<vmem>> -> memref<56x1024xf32, #tpu.memory_space<vmem>>
    %dma_start3A_102 = arith.constant 0 : i32
    %dma_start3A_103 = tpu.memref_slice %arg4[%select_n3A, %add3A_98, %dma_start3A_102] : memref<4x4096x1024xf32, #tpu.memory_space<hbm>> -> memref<1x56x1024xf32, #tpu.memory_space<hbm>>
    %dma_start3A_104 = tpu.memref_squeeze %dma_start3A_103 : memref<1x56x1024xf32, #tpu.memory_space<hbm>> -> memref<56x1024xf32, #tpu.memory_space<hbm>>
    %dma_start3A_105 = arith.constant 0 : i32
    %dma_start3A_106 = tpu.memref_slice %arg4[%select_n3A, %add3A_98, %dma_start3A_105] : memref<4x4096x1024xf32, #tpu.memory_space<hbm>> -> memref<1x56x1024xf32, #tpu.memory_space<hbm>>
    %dma_start3A_107 = tpu.memref_squeeze %dma_start3A_106 : memref<1x56x1024xf32, #tpu.memory_space<hbm>> -> memref<56x1024xf32, #tpu.memory_space<hbm>>
    %dma_start3A_108 = arith.constant 0 : i32
    %dma_start3A_109 = arith.constant 0 : i32
    %dma_start3A_110 = tpu.memref_slice %arg7[%dma_start3A_108, %dma_start3A_109] : memref<56x1024xf32, #tpu.memory_space<vmem>> -> memref<56x1024xf32, #tpu.memory_space<vmem>>
    tpu.enqueue_dma source(%dma_start3A_110 : memref<56x1024xf32, #tpu.memory_space<vmem>>) target(%dma_start3A_107 : memref<56x1024xf32, #tpu.memory_space<hbm>>) target_semaphore(%arg11 : memref<!tpu.dma_semaphore, #tpu.memory_space<semaphore_mem>>)
    %dma_wait3A_111 = arith.constant 0 : i32
    %dma_wait3A_112 = arith.constant 0 : i32
    %dma_wait3A_113 = tpu.memref_slice %arg7[%dma_wait3A_111, %dma_wait3A_112] : memref<56x1024xf32, #tpu.memory_space<vmem>> -> memref<56x1024xf32, #tpu.memory_space<vmem>>
    %dma_wait3A_114 = arith.constant 0 : i32
    %dma_wait3A_115 = tpu.memref_slice %arg4[%select_n3A, %add3A_98, %dma_wait3A_114] : memref<4x4096x1024xf32, #tpu.memory_space<hbm>> -> memref<1x56x1024xf32, #tpu.memory_space<hbm>>
    %dma_wait3A_116 = tpu.memref_squeeze %dma_wait3A_115 : memref<1x56x1024xf32, #tpu.memory_space<hbm>> -> memref<56x1024xf32, #tpu.memory_space<hbm>>
    %dma_wait3A_117 = arith.constant 0 : i32
    %dma_wait3A_118 = tpu.memref_slice %arg4[%select_n3A, %add3A_98, %dma_wait3A_117] : memref<4x4096x1024xf32, #tpu.memory_space<hbm>> -> memref<1x56x1024xf32, #tpu.memory_space<hbm>>
    %dma_wait3A_119 = tpu.memref_squeeze %dma_wait3A_118 : memref<1x56x1024xf32, #tpu.memory_space<hbm>> -> memref<56x1024xf32, #tpu.memory_space<hbm>>
    %dma_wait3A_120 = arith.constant 0 : i32
    %dma_wait3A_121 = arith.constant 0 : i32
    %dma_wait3A_122 = tpu.memref_slice %arg7[%dma_wait3A_120, %dma_wait3A_121] : memref<56x1024xf32, #tpu.memory_space<vmem>> -> memref<56x1024xf32, #tpu.memory_space<vmem>>
    tpu.wait_dma2 semaphore(%arg11 : memref<!tpu.dma_semaphore, #tpu.memory_space<semaphore_mem>>) src(%dma_wait3A_122 : memref<56x1024xf32, #tpu.memory_space<vmem>>) dst(%dma_wait3A_119 : memref<56x1024xf32, #tpu.memory_space<hbm>>)
    %dma_start3A_123 = arith.constant 0 : i32
    %dma_start3A_124 = arith.constant 0 : i32
    %dma_start3A_125 = tpu.memref_slice %arg7[%dma_start3A_123, %dma_start3A_124] : memref<56x1024xf32, #tpu.memory_space<vmem>> -> memref<56x1024xf32, #tpu.memory_space<vmem>>
    %dma_start3A_126 = arith.constant 184 : i32
    %dma_start3A_127 = tpu.memref_slice %arg5[%dma_start3A_126] : memref<512xi32, #tpu.memory_space<vmem>> -> memref<56xi32, #tpu.memory_space<vmem>>
    %dma_start3A_128 = arith.constant 0 : i32
    %dma_start3A_129 = arith.constant 0 : i32
    %dma_start3A_130 = tpu.memref_slice %arg2[%dma_start3A_128, %dma_start3A_129] : memref<100000x1024xf32, #tpu.memory_space<hbm>> -> memref<100000x1024xf32, #tpu.memory_space<hbm>>
    tpu.enqueue_indirect_dma source(%dma_start3A_130 : memref<100000x1024xf32, #tpu.memory_space<hbm>>) target(%dma_start3A_125 : memref<56x1024xf32, #tpu.memory_space<vmem>>) offsets(%dma_start3A_127 : memref<56xi32, #tpu.memory_space<vmem>>) semaphore(%arg9 : memref<!tpu.dma_semaphore, #tpu.memory_space<semaphore_mem>>)
    %dma_wait3A_131 = arith.constant 0 : i32
    %dma_wait3A_132 = arith.constant 0 : i32
    %dma_wait3A_133 = tpu.memref_slice %arg6[%dma_wait3A_131, %dma_wait3A_132] : memref<64x1024xf32, #tpu.memory_space<vmem>> -> memref<64x1024xf32, #tpu.memory_space<vmem>>
    %dma_wait3A_134 = arith.constant 120 : i32
    %dma_wait3A_135 = tpu.memref_slice %arg5[%dma_wait3A_134] : memref<512xi32, #tpu.memory_space<vmem>> -> memref<64xi32, #tpu.memory_space<vmem>>
    %dma_wait3A_136 = arith.constant 0 : i32
    %dma_wait3A_137 = arith.constant 0 : i32
    %dma_wait3A_138 = tpu.memref_slice %arg2[%dma_wait3A_136, %dma_wait3A_137] : memref<100000x1024xf32, #tpu.memory_space<hbm>> -> memref<100000x1024xf32, #tpu.memory_space<hbm>>
    tpu.wait_indirect_dma semaphore(%arg8 : memref<!tpu.dma_semaphore, #tpu.memory_space<semaphore_mem>>) src(%dma_wait3A_138 : memref<100000x1024xf32, #tpu.memory_space<hbm>>) dst(%dma_wait3A_133 : memref<64x1024xf32, #tpu.memory_space<vmem>>)
    %add3A_139 = arith.constant 120 : i32
    %add3A_140 = arith.addi %mul3A_32, %add3A_139 : i32
    %dma_start3A_141 = arith.constant 0 : i32
    %dma_start3A_142 = arith.constant 0 : i32
    %dma_start3A_143 = tpu.memref_slice %arg6[%dma_start3A_141, %dma_start3A_142] : memref<64x1024xf32, #tpu.memory_space<vmem>> -> memref<64x1024xf32, #tpu.memory_space<vmem>>
    %dma_start3A_144 = arith.constant 0 : i32
    %dma_start3A_145 = tpu.memref_slice %arg4[%select_n3A, %add3A_140, %dma_start3A_144] : memref<4x4096x1024xf32, #tpu.memory_space<hbm>> -> memref<1x64x1024xf32, #tpu.memory_space<hbm>>
    %dma_start3A_146 = tpu.memref_squeeze %dma_start3A_145 : memref<1x64x1024xf32, #tpu.memory_space<hbm>> -> memref<64x1024xf32, #tpu.memory_space<hbm>>
    %dma_start3A_147 = arith.constant 0 : i32
    %dma_start3A_148 = tpu.memref_slice %arg4[%select_n3A, %add3A_140, %dma_start3A_147] : memref<4x4096x1024xf32, #tpu.memory_space<hbm>> -> memref<1x64x1024xf32, #tpu.memory_space<hbm>>
    %dma_start3A_149 = tpu.memref_squeeze %dma_start3A_148 : memref<1x64x1024xf32, #tpu.memory_space<hbm>> -> memref<64x1024xf32, #tpu.memory_space<hbm>>
    %dma_start3A_150 = arith.constant 0 : i32
    %dma_start3A_151 = arith.constant 0 : i32
    %dma_start3A_152 = tpu.memref_slice %arg6[%dma_start3A_150, %dma_start3A_151] : memref<64x1024xf32, #tpu.memory_space<vmem>> -> memref<64x1024xf32, #tpu.memory_space<vmem>>
    tpu.enqueue_dma source(%dma_start3A_152 : memref<64x1024xf32, #tpu.memory_space<vmem>>) target(%dma_start3A_149 : memref<64x1024xf32, #tpu.memory_space<hbm>>) target_semaphore(%arg10 : memref<!tpu.dma_semaphore, #tpu.memory_space<semaphore_mem>>)
    %dma_wait3A_153 = arith.constant 0 : i32
    %dma_wait3A_154 = arith.constant 0 : i32
    %dma_wait3A_155 = tpu.memref_slice %arg6[%dma_wait3A_153, %dma_wait3A_154] : memref<64x1024xf32, #tpu.memory_space<vmem>> -> memref<64x1024xf32, #tpu.memory_space<vmem>>
    %dma_wait3A_156 = arith.constant 0 : i32
    %dma_wait3A_157 = tpu.memref_slice %arg4[%select_n3A, %add3A_140, %dma_wait3A_156] : memref<4x4096x1024xf32, #tpu.memory_space<hbm>> -> memref<1x64x1024xf32, #tpu.memory_space<hbm>>
    %dma_wait3A_158 = tpu.memref_squeeze %dma_wait3A_157 : memref<1x64x1024xf32, #tpu.memory_space<hbm>> -> memref<64x1024xf32, #tpu.memory_space<hbm>>
    %dma_wait3A_159 = arith.constant 0 : i32
    %dma_wait3A_160 = tpu.memref_slice %arg4[%select_n3A, %add3A_140, %dma_wait3A_159] : memref<4x4096x1024xf32, #tpu.memory_space<hbm>> -> memref<1x64x1024xf32, #tpu.memory_space<hbm>>
    %dma_wait3A_161 = tpu.memref_squeeze %dma_wait3A_160 : memref<1x64x1024xf32, #tpu.memory_space<hbm>> -> memref<64x1024xf32, #tpu.memory_space<hbm>>
    %dma_wait3A_162 = arith.constant 0 : i32
    %dma_wait3A_163 = arith.constant 0 : i32
    %dma_wait3A_164 = tpu.memref_slice %arg6[%dma_wait3A_162, %dma_wait3A_163] : memref<64x1024xf32, #tpu.memory_space<vmem>> -> memref<64x1024xf32, #tpu.memory_space<vmem>>
    tpu.wait_dma2 semaphore(%arg10 : memref<!tpu.dma_semaphore, #tpu.memory_space<semaphore_mem>>) src(%dma_wait3A_164 : memref<64x1024xf32, #tpu.memory_space<vmem>>) dst(%dma_wait3A_161 : memref<64x1024xf32, #tpu.memory_space<hbm>>)
    %dma_start3A_165 = arith.constant 0 : i32
    %dma_start3A_166 = arith.constant 0 : i32
    %dma_start3A_167 = tpu.memref_slice %arg6[%dma_start3A_165, %dma_start3A_166] : memref<64x1024xf32, #tpu.memory_space<vmem>> -> memref<64x1024xf32, #tpu.memory_space<vmem>>
    %dma_start3A_168 = arith.constant 240 : i32
    %dma_start3A_169 = tpu.memref_slice %arg5[%dma_start3A_168] : memref<512xi32, #tpu.memory_space<vmem>> -> memref<64xi32, #tpu.memory_space<vmem>>
    %dma_start3A_170 = arith.constant 0 : i32
    %dma_start3A_171 = arith.constant 0 : i32
    %dma_start3A_172 = tpu.memref_slice %arg2[%dma_start3A_170, %dma_start3A_171] : memref<100000x1024xf32, #tpu.memory_space<hbm>> -> memref<100000x1024xf32, #tpu.memory_space<hbm>>
    tpu.enqueue_indirect_dma source(%dma_start3A_172 : memref<100000x1024xf32, #tpu.memory_space<hbm>>) target(%dma_start3A_167 : memref<64x1024xf32, #tpu.memory_space<vmem>>) offsets(%dma_start3A_169 : memref<64xi32, #tpu.memory_space<vmem>>) semaphore(%arg8 : memref<!tpu.dma_semaphore, #tpu.memory_space<semaphore_mem>>)
    %dma_wait3A_173 = arith.constant 0 : i32
    %dma_wait3A_174 = arith.constant 0 : i32
    %dma_wait3A_175 = tpu.memref_slice %arg7[%dma_wait3A_173, %dma_wait3A_174] : memref<56x1024xf32, #tpu.memory_space<vmem>> -> memref<56x1024xf32, #tpu.memory_space<vmem>>
    %dma_wait3A_176 = arith.constant 184 : i32
    %dma_wait3A_177 = tpu.memref_slice %arg5[%dma_wait3A_176] : memref<512xi32, #tpu.memory_space<vmem>> -> memref<56xi32, #tpu.memory_space<vmem>>
    %dma_wait3A_178 = arith.constant 0 : i32
    %dma_wait3A_179 = arith.constant 0 : i32
    %dma_wait3A_180 = tpu.memref_slice %arg2[%dma_wait3A_178, %dma_wait3A_179] : memref<100000x1024xf32, #tpu.memory_space<hbm>> -> memref<100000x1024xf32, #tpu.memory_space<hbm>>
    tpu.wait_indirect_dma semaphore(%arg9 : memref<!tpu.dma_semaphore, #tpu.memory_space<semaphore_mem>>) src(%dma_wait3A_180 : memref<100000x1024xf32, #tpu.memory_space<hbm>>) dst(%dma_wait3A_175 : memref<56x1024xf32, #tpu.memory_space<vmem>>)
    %add3A_181 = arith.constant 184 : i32
    %add3A_182 = arith.addi %mul3A_32, %add3A_181 : i32
    %dma_start3A_183 = arith.constant 0 : i32
    %dma_start3A_184 = arith.constant 0 : i32
    %dma_start3A_185 = tpu.memref_slice %arg7[%dma_start3A_183, %dma_start3A_184] : memref<56x1024xf32, #tpu.memory_space<vmem>> -> memref<56x1024xf32, #tpu.memory_space<vmem>>
    %dma_start3A_186 = arith.constant 0 : i32
    %dma_start3A_187 = tpu.memref_slice %arg4[%select_n3A, %add3A_182, %dma_start3A_186] : memref<4x4096x1024xf32, #tpu.memory_space<hbm>> -> memref<1x56x1024xf32, #tpu.memory_space<hbm>>
    %dma_start3A_188 = tpu.memref_squeeze %dma_start3A_187 : memref<1x56x1024xf32, #tpu.memory_space<hbm>> -> memref<56x1024xf32, #tpu.memory_space<hbm>>
    %dma_start3A_189 = arith.constant 0 : i32
    %dma_start3A_190 = tpu.memref_slice %arg4[%select_n3A, %add3A_182, %dma_start3A_189] : memref<4x4096x1024xf32, #tpu.memory_space<hbm>> -> memref<1x56x1024xf32, #tpu.memory_space<hbm>>
    %dma_start3A_191 = tpu.memref_squeeze %dma_start3A_190 : memref<1x56x1024xf32, #tpu.memory_space<hbm>> -> memref<56x1024xf32, #tpu.memory_space<hbm>>
    %dma_start3A_192 = arith.constant 0 : i32
    %dma_start3A_193 = arith.constant 0 : i32
    %dma_start3A_194 = tpu.memref_slice %arg7[%dma_start3A_192, %dma_start3A_193] : memref<56x1024xf32, #tpu.memory_space<vmem>> -> memref<56x1024xf32, #tpu.memory_space<vmem>>
    tpu.enqueue_dma source(%dma_start3A_194 : memref<56x1024xf32, #tpu.memory_space<vmem>>) target(%dma_start3A_191 : memref<56x1024xf32, #tpu.memory_space<hbm>>) target_semaphore(%arg11 : memref<!tpu.dma_semaphore, #tpu.memory_space<semaphore_mem>>)
    %dma_wait3A_195 = arith.constant 0 : i32
    %dma_wait3A_196 = arith.constant 0 : i32
    %dma_wait3A_197 = tpu.memref_slice %arg7[%dma_wait3A_195, %dma_wait3A_196] : memref<56x1024xf32, #tpu.memory_space<vmem>> -> memref<56x1024xf32, #tpu.memory_space<vmem>>
    %dma_wait3A_198 = arith.constant 0 : i32
    %dma_wait3A_199 = tpu.memref_slice %arg4[%select_n3A, %add3A_182, %dma_wait3A_198] : memref<4x4096x1024xf32, #tpu.memory_space<hbm>> -> memref<1x56x1024xf32, #tpu.memory_space<hbm>>
    %dma_wait3A_200 = tpu.memref_squeeze %dma_wait3A_199 : memref<1x56x1024xf32, #tpu.memory_space<hbm>> -> memref<56x1024xf32, #tpu.memory_space<hbm>>
    %dma_wait3A_201 = arith.constant 0 : i32
    %dma_wait3A_202 = tpu.memref_slice %arg4[%select_n3A, %add3A_182, %dma_wait3A_201] : memref<4x4096x1024xf32, #tpu.memory_space<hbm>> -> memref<1x56x1024xf32, #tpu.memory_space<hbm>>
    %dma_wait3A_203 = tpu.memref_squeeze %dma_wait3A_202 : memref<1x56x1024xf32, #tpu.memory_space<hbm>> -> memref<56x1024xf32, #tpu.memory_space<hbm>>
    %dma_wait3A_204 = arith.constant 0 : i32
    %dma_wait3A_205 = arith.constant 0 : i32
    %dma_wait3A_206 = tpu.memref_slice %arg7[%dma_wait3A_204, %dma_wait3A_205] : memref<56x1024xf32, #tpu.memory_space<vmem>> -> memref<56x1024xf32, #tpu.memory_space<vmem>>
    tpu.wait_dma2 semaphore(%arg11 : memref<!tpu.dma_semaphore, #tpu.memory_space<semaphore_mem>>) src(%dma_wait3A_206 : memref<56x1024xf32, #tpu.memory_space<vmem>>) dst(%dma_wait3A_203 : memref<56x1024xf32, #tpu.memory_space<hbm>>)
    %dma_start3A_207 = arith.constant 0 : i32
    %dma_start3A_208 = arith.constant 0 : i32
    %dma_start3A_209 = tpu.memref_slice %arg7[%dma_start3A_207, %dma_start3A_208] : memref<56x1024xf32, #tpu.memory_space<vmem>> -> memref<56x1024xf32, #tpu.memory_space<vmem>>
    %dma_start3A_210 = arith.constant 304 : i32
    %dma_start3A_211 = tpu.memref_slice %arg5[%dma_start3A_210] : memref<512xi32, #tpu.memory_space<vmem>> -> memref<56xi32, #tpu.memory_space<vmem>>
    %dma_start3A_212 = arith.constant 0 : i32
    %dma_start3A_213 = arith.constant 0 : i32
    %dma_start3A_214 = tpu.memref_slice %arg2[%dma_start3A_212, %dma_start3A_213] : memref<100000x1024xf32, #tpu.memory_space<hbm>> -> memref<100000x1024xf32, #tpu.memory_space<hbm>>
    tpu.enqueue_indirect_dma source(%dma_start3A_214 : memref<100000x1024xf32, #tpu.memory_space<hbm>>) target(%dma_start3A_209 : memref<56x1024xf32, #tpu.memory_space<vmem>>) offsets(%dma_start3A_211 : memref<56xi32, #tpu.memory_space<vmem>>) semaphore(%arg9 : memref<!tpu.dma_semaphore, #tpu.memory_space<semaphore_mem>>)
    %dma_wait3A_215 = arith.constant 0 : i32
    %dma_wait3A_216 = arith.constant 0 : i32
    %dma_wait3A_217 = tpu.memref_slice %arg6[%dma_wait3A_215, %dma_wait3A_216] : memref<64x1024xf32, #tpu.memory_space<vmem>> -> memref<64x1024xf32, #tpu.memory_space<vmem>>
    %dma_wait3A_218 = arith.constant 240 : i32
    %dma_wait3A_219 = tpu.memref_slice %arg5[%dma_wait3A_218] : memref<512xi32, #tpu.memory_space<vmem>> -> memref<64xi32, #tpu.memory_space<vmem>>
    %dma_wait3A_220 = arith.constant 0 : i32
    %dma_wait3A_221 = arith.constant 0 : i32
    %dma_wait3A_222 = tpu.memref_slice %arg2[%dma_wait3A_220, %dma_wait3A_221] : memref<100000x1024xf32, #tpu.memory_space<hbm>> -> memref<100000x1024xf32, #tpu.memory_space<hbm>>
    tpu.wait_indirect_dma semaphore(%arg8 : memref<!tpu.dma_semaphore, #tpu.memory_space<semaphore_mem>>) src(%dma_wait3A_222 : memref<100000x1024xf32, #tpu.memory_space<hbm>>) dst(%dma_wait3A_217 : memref<64x1024xf32, #tpu.memory_space<vmem>>)
    %add3A_223 = arith.constant 240 : i32
    %add3A_224 = arith.addi %mul3A_32, %add3A_223 : i32
    %dma_start3A_225 = arith.constant 0 : i32
    %dma_start3A_226 = arith.constant 0 : i32
    %dma_start3A_227 = tpu.memref_slice %arg6[%dma_start3A_225, %dma_start3A_226] : memref<64x1024xf32, #tpu.memory_space<vmem>> -> memref<64x1024xf32, #tpu.memory_space<vmem>>
    %dma_start3A_228 = arith.constant 0 : i32
    %dma_start3A_229 = tpu.memref_slice %arg4[%select_n3A, %add3A_224, %dma_start3A_228] : memref<4x4096x1024xf32, #tpu.memory_space<hbm>> -> memref<1x64x1024xf32, #tpu.memory_space<hbm>>
    %dma_start3A_230 = tpu.memref_squeeze %dma_start3A_229 : memref<1x64x1024xf32, #tpu.memory_space<hbm>> -> memref<64x1024xf32, #tpu.memory_space<hbm>>
    %dma_start3A_231 = arith.constant 0 : i32
    %dma_start3A_232 = tpu.memref_slice %arg4[%select_n3A, %add3A_224, %dma_start3A_231] : memref<4x4096x1024xf32, #tpu.memory_space<hbm>> -> memref<1x64x1024xf32, #tpu.memory_space<hbm>>
    %dma_start3A_233 = tpu.memref_squeeze %dma_start3A_232 : memref<1x64x1024xf32, #tpu.memory_space<hbm>> -> memref<64x1024xf32, #tpu.memory_space<hbm>>
    %dma_start3A_234 = arith.constant 0 : i32
    %dma_start3A_235 = arith.constant 0 : i32
    %dma_start3A_236 = tpu.memref_slice %arg6[%dma_start3A_234, %dma_start3A_235] : memref<64x1024xf32, #tpu.memory_space<vmem>> -> memref<64x1024xf32, #tpu.memory_space<vmem>>
    tpu.enqueue_dma source(%dma_start3A_236 : memref<64x1024xf32, #tpu.memory_space<vmem>>) target(%dma_start3A_233 : memref<64x1024xf32, #tpu.memory_space<hbm>>) target_semaphore(%arg10 : memref<!tpu.dma_semaphore, #tpu.memory_space<semaphore_mem>>)
    %dma_wait3A_237 = arith.constant 0 : i32
    %dma_wait3A_238 = arith.constant 0 : i32
    %dma_wait3A_239 = tpu.memref_slice %arg6[%dma_wait3A_237, %dma_wait3A_238] : memref<64x1024xf32, #tpu.memory_space<vmem>> -> memref<64x1024xf32, #tpu.memory_space<vmem>>
    %dma_wait3A_240 = arith.constant 0 : i32
    %dma_wait3A_241 = tpu.memref_slice %arg4[%select_n3A, %add3A_224, %dma_wait3A_240] : memref<4x4096x1024xf32, #tpu.memory_space<hbm>> -> memref<1x64x1024xf32, #tpu.memory_space<hbm>>
    %dma_wait3A_242 = tpu.memref_squeeze %dma_wait3A_241 : memref<1x64x1024xf32, #tpu.memory_space<hbm>> -> memref<64x1024xf32, #tpu.memory_space<hbm>>
    %dma_wait3A_243 = arith.constant 0 : i32
    %dma_wait3A_244 = tpu.memref_slice %arg4[%select_n3A, %add3A_224, %dma_wait3A_243] : memref<4x4096x1024xf32, #tpu.memory_space<hbm>> -> memref<1x64x1024xf32, #tpu.memory_space<hbm>>
    %dma_wait3A_245 = tpu.memref_squeeze %dma_wait3A_244 : memref<1x64x1024xf32, #tpu.memory_space<hbm>> -> memref<64x1024xf32, #tpu.memory_space<hbm>>
    %dma_wait3A_246 = arith.constant 0 : i32
    %dma_wait3A_247 = arith.constant 0 : i32
    %dma_wait3A_248 = tpu.memref_slice %arg6[%dma_wait3A_246, %dma_wait3A_247] : memref<64x1024xf32, #tpu.memory_space<vmem>> -> memref<64x1024xf32, #tpu.memory_space<vmem>>
    tpu.wait_dma2 semaphore(%arg10 : memref<!tpu.dma_semaphore, #tpu.memory_space<semaphore_mem>>) src(%dma_wait3A_248 : memref<64x1024xf32, #tpu.memory_space<vmem>>) dst(%dma_wait3A_245 : memref<64x1024xf32, #tpu.memory_space<hbm>>)
    %dma_start3A_249 = arith.constant 0 : i32
    %dma_start3A_250 = arith.constant 0 : i32
    %dma_start3A_251 = tpu.memref_slice %arg6[%dma_start3A_249, %dma_start3A_250] : memref<64x1024xf32, #tpu.memory_space<vmem>> -> memref<64x1024xf32, #tpu.memory_space<vmem>>
    %dma_start3A_252 = arith.constant 360 : i32
    %dma_start3A_253 = tpu.memref_slice %arg5[%dma_start3A_252] : memref<512xi32, #tpu.memory_space<vmem>> -> memref<64xi32, #tpu.memory_space<vmem>>
    %dma_start3A_254 = arith.constant 0 : i32
    %dma_start3A_255 = arith.constant 0 : i32
    %dma_start3A_256 = tpu.memref_slice %arg2[%dma_start3A_254, %dma_start3A_255] : memref<100000x1024xf32, #tpu.memory_space<hbm>> -> memref<100000x1024xf32, #tpu.memory_space<hbm>>
    tpu.enqueue_indirect_dma source(%dma_start3A_256 : memref<100000x1024xf32, #tpu.memory_space<hbm>>) target(%dma_start3A_251 : memref<64x1024xf32, #tpu.memory_space<vmem>>) offsets(%dma_start3A_253 : memref<64xi32, #tpu.memory_space<vmem>>) semaphore(%arg8 : memref<!tpu.dma_semaphore, #tpu.memory_space<semaphore_mem>>)
    %dma_wait3A_257 = arith.constant 0 : i32
    %dma_wait3A_258 = arith.constant 0 : i32
    %dma_wait3A_259 = tpu.memref_slice %arg7[%dma_wait3A_257, %dma_wait3A_258] : memref<56x1024xf32, #tpu.memory_space<vmem>> -> memref<56x1024xf32, #tpu.memory_space<vmem>>
    %dma_wait3A_260 = arith.constant 304 : i32
    %dma_wait3A_261 = tpu.memref_slice %arg5[%dma_wait3A_260] : memref<512xi32, #tpu.memory_space<vmem>> -> memref<56xi32, #tpu.memory_space<vmem>>
    %dma_wait3A_262 = arith.constant 0 : i32
    %dma_wait3A_263 = arith.constant 0 : i32
    %dma_wait3A_264 = tpu.memref_slice %arg2[%dma_wait3A_262, %dma_wait3A_263] : memref<100000x1024xf32, #tpu.memory_space<hbm>> -> memref<100000x1024xf32, #tpu.memory_space<hbm>>
    tpu.wait_indirect_dma semaphore(%arg9 : memref<!tpu.dma_semaphore, #tpu.memory_space<semaphore_mem>>) src(%dma_wait3A_264 : memref<100000x1024xf32, #tpu.memory_space<hbm>>) dst(%dma_wait3A_259 : memref<56x1024xf32, #tpu.memory_space<vmem>>)
    %add3A_265 = arith.constant 304 : i32
    %add3A_266 = arith.addi %mul3A_32, %add3A_265 : i32
    %dma_start3A_267 = arith.constant 0 : i32
    %dma_start3A_268 = arith.constant 0 : i32
    %dma_start3A_269 = tpu.memref_slice %arg7[%dma_start3A_267, %dma_start3A_268] : memref<56x1024xf32, #tpu.memory_space<vmem>> -> memref<56x1024xf32, #tpu.memory_space<vmem>>
    %dma_start3A_270 = arith.constant 0 : i32
    %dma_start3A_271 = tpu.memref_slice %arg4[%select_n3A, %add3A_266, %dma_start3A_270] : memref<4x4096x1024xf32, #tpu.memory_space<hbm>> -> memref<1x56x1024xf32, #tpu.memory_space<hbm>>
    %dma_start3A_272 = tpu.memref_squeeze %dma_start3A_271 : memref<1x56x1024xf32, #tpu.memory_space<hbm>> -> memref<56x1024xf32, #tpu.memory_space<hbm>>
    %dma_start3A_273 = arith.constant 0 : i32
    %dma_start3A_274 = tpu.memref_slice %arg4[%select_n3A, %add3A_266, %dma_start3A_273] : memref<4x4096x1024xf32, #tpu.memory_space<hbm>> -> memref<1x56x1024xf32, #tpu.memory_space<hbm>>
    %dma_start3A_275 = tpu.memref_squeeze %dma_start3A_274 : memref<1x56x1024xf32, #tpu.memory_space<hbm>> -> memref<56x1024xf32, #tpu.memory_space<hbm>>
    %dma_start3A_276 = arith.constant 0 : i32
    %dma_start3A_277 = arith.constant 0 : i32
    %dma_start3A_278 = tpu.memref_slice %arg7[%dma_start3A_276, %dma_start3A_277] : memref<56x1024xf32, #tpu.memory_space<vmem>> -> memref<56x1024xf32, #tpu.memory_space<vmem>>
    tpu.enqueue_dma source(%dma_start3A_278 : memref<56x1024xf32, #tpu.memory_space<vmem>>) target(%dma_start3A_275 : memref<56x1024xf32, #tpu.memory_space<hbm>>) target_semaphore(%arg11 : memref<!tpu.dma_semaphore, #tpu.memory_space<semaphore_mem>>)
    %dma_wait3A_279 = arith.constant 0 : i32
    %dma_wait3A_280 = arith.constant 0 : i32
    %dma_wait3A_281 = tpu.memref_slice %arg7[%dma_wait3A_279, %dma_wait3A_280] : memref<56x1024xf32, #tpu.memory_space<vmem>> -> memref<56x1024xf32, #tpu.memory_space<vmem>>
    %dma_wait3A_282 = arith.constant 0 : i32
    %dma_wait3A_283 = tpu.memref_slice %arg4[%select_n3A, %add3A_266, %dma_wait3A_282] : memref<4x4096x1024xf32, #tpu.memory_space<hbm>> -> memref<1x56x1024xf32, #tpu.memory_space<hbm>>
    %dma_wait3A_284 = tpu.memref_squeeze %dma_wait3A_283 : memref<1x56x1024xf32, #tpu.memory_space<hbm>> -> memref<56x1024xf32, #tpu.memory_space<hbm>>
    %dma_wait3A_285 = arith.constant 0 : i32
    %dma_wait3A_286 = tpu.memref_slice %arg4[%select_n3A, %add3A_266, %dma_wait3A_285] : memref<4x4096x1024xf32, #tpu.memory_space<hbm>> -> memref<1x56x1024xf32, #tpu.memory_space<hbm>>
    %dma_wait3A_287 = tpu.memref_squeeze %dma_wait3A_286 : memref<1x56x1024xf32, #tpu.memory_space<hbm>> -> memref<56x1024xf32, #tpu.memory_space<hbm>>
    %dma_wait3A_288 = arith.constant 0 : i32
    %dma_wait3A_289 = arith.constant 0 : i32
    %dma_wait3A_290 = tpu.memref_slice %arg7[%dma_wait3A_288, %dma_wait3A_289] : memref<56x1024xf32, #tpu.memory_space<vmem>> -> memref<56x1024xf32, #tpu.memory_space<vmem>>
    tpu.wait_dma2 semaphore(%arg11 : memref<!tpu.dma_semaphore, #tpu.memory_space<semaphore_mem>>) src(%dma_wait3A_290 : memref<56x1024xf32, #tpu.memory_space<vmem>>) dst(%dma_wait3A_287 : memref<56x1024xf32, #tpu.memory_space<hbm>>)
    %dma_start3A_291 = arith.constant 0 : i32
    %dma_start3A_292 = arith.constant 0 : i32
    %dma_start3A_293 = tpu.memref_slice %arg7[%dma_start3A_291, %dma_start3A_292] : memref<56x1024xf32, #tpu.memory_space<vmem>> -> memref<56x1024xf32, #tpu.memory_space<vmem>>
    %dma_start3A_294 = arith.constant 424 : i32
    %dma_start3A_295 = tpu.memref_slice %arg5[%dma_start3A_294] : memref<512xi32, #tpu.memory_space<vmem>> -> memref<56xi32, #tpu.memory_space<vmem>>
    %dma_start3A_296 = arith.constant 0 : i32
    %dma_start3A_297 = arith.constant 0 : i32
    %dma_start3A_298 = tpu.memref_slice %arg2[%dma_start3A_296, %dma_start3A_297] : memref<100000x1024xf32, #tpu.memory_space<hbm>> -> memref<100000x1024xf32, #tpu.memory_space<hbm>>
    tpu.enqueue_indirect_dma source(%dma_start3A_298 : memref<100000x1024xf32, #tpu.memory_space<hbm>>) target(%dma_start3A_293 : memref<56x1024xf32, #tpu.memory_space<vmem>>) offsets(%dma_start3A_295 : memref<56xi32, #tpu.memory_space<vmem>>) semaphore(%arg9 : memref<!tpu.dma_semaphore, #tpu.memory_space<semaphore_mem>>)
    %dma_wait3A_299 = arith.constant 0 : i32
    %dma_wait3A_300 = arith.constant 0 : i32
    %dma_wait3A_301 = tpu.memref_slice %arg6[%dma_wait3A_299, %dma_wait3A_300] : memref<64x1024xf32, #tpu.memory_space<vmem>> -> memref<64x1024xf32, #tpu.memory_space<vmem>>
    %dma_wait3A_302 = arith.constant 360 : i32
    %dma_wait3A_303 = tpu.memref_slice %arg5[%dma_wait3A_302] : memref<512xi32, #tpu.memory_space<vmem>> -> memref<64xi32, #tpu.memory_space<vmem>>
    %dma_wait3A_304 = arith.constant 0 : i32
    %dma_wait3A_305 = arith.constant 0 : i32
    %dma_wait3A_306 = tpu.memref_slice %arg2[%dma_wait3A_304, %dma_wait3A_305] : memref<100000x1024xf32, #tpu.memory_space<hbm>> -> memref<100000x1024xf32, #tpu.memory_space<hbm>>
    tpu.wait_indirect_dma semaphore(%arg8 : memref<!tpu.dma_semaphore, #tpu.memory_space<semaphore_mem>>) src(%dma_wait3A_306 : memref<100000x1024xf32, #tpu.memory_space<hbm>>) dst(%dma_wait3A_301 : memref<64x1024xf32, #tpu.memory_space<vmem>>)
    %add3A_307 = arith.constant 360 : i32
    %add3A_308 = arith.addi %mul3A_32, %add3A_307 : i32
    %dma_start3A_309 = arith.constant 0 : i32
    %dma_start3A_310 = arith.constant 0 : i32
    %dma_start3A_311 = tpu.memref_slice %arg6[%dma_start3A_309, %dma_start3A_310] : memref<64x1024xf32, #tpu.memory_space<vmem>> -> memref<64x1024xf32, #tpu.memory_space<vmem>>
    %dma_start3A_312 = arith.constant 0 : i32
    %dma_start3A_313 = tpu.memref_slice %arg4[%select_n3A, %add3A_308, %dma_start3A_312] : memref<4x4096x1024xf32, #tpu.memory_space<hbm>> -> memref<1x64x1024xf32, #tpu.memory_space<hbm>>
    %dma_start3A_314 = tpu.memref_squeeze %dma_start3A_313 : memref<1x64x1024xf32, #tpu.memory_space<hbm>> -> memref<64x1024xf32, #tpu.memory_space<hbm>>
    %dma_start3A_315 = arith.constant 0 : i32
    %dma_start3A_316 = tpu.memref_slice %arg4[%select_n3A, %add3A_308, %dma_start3A_315] : memref<4x4096x1024xf32, #tpu.memory_space<hbm>> -> memref<1x64x1024xf32, #tpu.memory_space<hbm>>
    %dma_start3A_317 = tpu.memref_squeeze %dma_start3A_316 : memref<1x64x1024xf32, #tpu.memory_space<hbm>> -> memref<64x1024xf32, #tpu.memory_space<hbm>>
    %dma_start3A_318 = arith.constant 0 : i32
    %dma_start3A_319 = arith.constant 0 : i32
    %dma_start3A_320 = tpu.memref_slice %arg6[%dma_start3A_318, %dma_start3A_319] : memref<64x1024xf32, #tpu.memory_space<vmem>> -> memref<64x1024xf32, #tpu.memory_space<vmem>>
    tpu.enqueue_dma source(%dma_start3A_320 : memref<64x1024xf32, #tpu.memory_space<vmem>>) target(%dma_start3A_317 : memref<64x1024xf32, #tpu.memory_space<hbm>>) target_semaphore(%arg10 : memref<!tpu.dma_semaphore, #tpu.memory_space<semaphore_mem>>)
    %dma_wait3A_321 = arith.constant 0 : i32
    %dma_wait3A_322 = arith.constant 0 : i32
    %dma_wait3A_323 = tpu.memref_slice %arg6[%dma_wait3A_321, %dma_wait3A_322] : memref<64x1024xf32, #tpu.memory_space<vmem>> -> memref<64x1024xf32, #tpu.memory_space<vmem>>
    %dma_wait3A_324 = arith.constant 0 : i32
    %dma_wait3A_325 = tpu.memref_slice %arg4[%select_n3A, %add3A_308, %dma_wait3A_324] : memref<4x4096x1024xf32, #tpu.memory_space<hbm>> -> memref<1x64x1024xf32, #tpu.memory_space<hbm>>
    %dma_wait3A_326 = tpu.memref_squeeze %dma_wait3A_325 : memref<1x64x1024xf32, #tpu.memory_space<hbm>> -> memref<64x1024xf32, #tpu.memory_space<hbm>>
    %dma_wait3A_327 = arith.constant 0 : i32
    %dma_wait3A_328 = tpu.memref_slice %arg4[%select_n3A, %add3A_308, %dma_wait3A_327] : memref<4x4096x1024xf32, #tpu.memory_space<hbm>> -> memref<1x64x1024xf32, #tpu.memory_space<hbm>>
    %dma_wait3A_329 = tpu.memref_squeeze %dma_wait3A_328 : memref<1x64x1024xf32, #tpu.memory_space<hbm>> -> memref<64x1024xf32, #tpu.memory_space<hbm>>
    %dma_wait3A_330 = arith.constant 0 : i32
    %dma_wait3A_331 = arith.constant 0 : i32
    %dma_wait3A_332 = tpu.memref_slice %arg6[%dma_wait3A_330, %dma_wait3A_331] : memref<64x1024xf32, #tpu.memory_space<vmem>> -> memref<64x1024xf32, #tpu.memory_space<vmem>>
    tpu.wait_dma2 semaphore(%arg10 : memref<!tpu.dma_semaphore, #tpu.memory_space<semaphore_mem>>) src(%dma_wait3A_332 : memref<64x1024xf32, #tpu.memory_space<vmem>>) dst(%dma_wait3A_329 : memref<64x1024xf32, #tpu.memory_space<hbm>>)
    %dma_start3A_333 = arith.constant 0 : i32
    %dma_start3A_334 = arith.constant 0 : i32
    %dma_start3A_335 = tpu.memref_slice %arg6[%dma_start3A_333, %dma_start3A_334] : memref<64x1024xf32, #tpu.memory_space<vmem>> -> memref<32x1024xf32, #tpu.memory_space<vmem>>
    %dma_start3A_336 = arith.constant 480 : i32
    %dma_start3A_337 = tpu.memref_slice %arg5[%dma_start3A_336] : memref<512xi32, #tpu.memory_space<vmem>> -> memref<32xi32, #tpu.memory_space<vmem>>
    %dma_start3A_338 = arith.constant 0 : i32
    %dma_start3A_339 = arith.constant 0 : i32
    %dma_start3A_340 = tpu.memref_slice %arg2[%dma_start3A_338, %dma_start3A_339] : memref<100000x1024xf32, #tpu.memory_space<hbm>> -> memref<100000x1024xf32, #tpu.memory_space<hbm>>
    tpu.enqueue_indirect_dma source(%dma_start3A_340 : memref<100000x1024xf32, #tpu.memory_space<hbm>>) target(%dma_start3A_335 : memref<32x1024xf32, #tpu.memory_space<vmem>>) offsets(%dma_start3A_337 : memref<32xi32, #tpu.memory_space<vmem>>) semaphore(%arg8 : memref<!tpu.dma_semaphore, #tpu.memory_space<semaphore_mem>>)
    %dma_wait3A_341 = arith.constant 0 : i32
    %dma_wait3A_342 = arith.constant 0 : i32
    %dma_wait3A_343 = tpu.memref_slice %arg7[%dma_wait3A_341, %dma_wait3A_342] : memref<56x1024xf32, #tpu.memory_space<vmem>> -> memref<56x1024xf32, #tpu.memory_space<vmem>>
    %dma_wait3A_344 = arith.constant 424 : i32
    %dma_wait3A_345 = tpu.memref_slice %arg5[%dma_wait3A_344] : memref<512xi32, #tpu.memory_space<vmem>> -> memref<56xi32, #tpu.memory_space<vmem>>
    %dma_wait3A_346 = arith.constant 0 : i32
    %dma_wait3A_347 = arith.constant 0 : i32
    %dma_wait3A_348 = tpu.memref_slice %arg2[%dma_wait3A_346, %dma_wait3A_347] : memref<100000x1024xf32, #tpu.memory_space<hbm>> -> memref<100000x1024xf32, #tpu.memory_space<hbm>>
    tpu.wait_indirect_dma semaphore(%arg9 : memref<!tpu.dma_semaphore, #tpu.memory_space<semaphore_mem>>) src(%dma_wait3A_348 : memref<100000x1024xf32, #tpu.memory_space<hbm>>) dst(%dma_wait3A_343 : memref<56x1024xf32, #tpu.memory_space<vmem>>)
    %add3A_349 = arith.constant 424 : i32
    %add3A_350 = arith.addi %mul3A_32, %add3A_349 : i32
    %dma_start3A_351 = arith.constant 0 : i32
    %dma_start3A_352 = arith.constant 0 : i32
    %dma_start3A_353 = tpu.memref_slice %arg7[%dma_start3A_351, %dma_start3A_352] : memref<56x1024xf32, #tpu.memory_space<vmem>> -> memref<56x1024xf32, #tpu.memory_space<vmem>>
    %dma_start3A_354 = arith.constant 0 : i32
    %dma_start3A_355 = tpu.memref_slice %arg4[%select_n3A, %add3A_350, %dma_start3A_354] : memref<4x4096x1024xf32, #tpu.memory_space<hbm>> -> memref<1x56x1024xf32, #tpu.memory_space<hbm>>
    %dma_start3A_356 = tpu.memref_squeeze %dma_start3A_355 : memref<1x56x1024xf32, #tpu.memory_space<hbm>> -> memref<56x1024xf32, #tpu.memory_space<hbm>>
    %dma_start3A_357 = arith.constant 0 : i32
    %dma_start3A_358 = tpu.memref_slice %arg4[%select_n3A, %add3A_350, %dma_start3A_357] : memref<4x4096x1024xf32, #tpu.memory_space<hbm>> -> memref<1x56x1024xf32, #tpu.memory_space<hbm>>
    %dma_start3A_359 = tpu.memref_squeeze %dma_start3A_358 : memref<1x56x1024xf32, #tpu.memory_space<hbm>> -> memref<56x1024xf32, #tpu.memory_space<hbm>>
    %dma_start3A_360 = arith.constant 0 : i32
    %dma_start3A_361 = arith.constant 0 : i32
    %dma_start3A_362 = tpu.memref_slice %arg7[%dma_start3A_360, %dma_start3A_361] : memref<56x1024xf32, #tpu.memory_space<vmem>> -> memref<56x1024xf32, #tpu.memory_space<vmem>>
    tpu.enqueue_dma source(%dma_start3A_362 : memref<56x1024xf32, #tpu.memory_space<vmem>>) target(%dma_start3A_359 : memref<56x1024xf32, #tpu.memory_space<hbm>>) target_semaphore(%arg11 : memref<!tpu.dma_semaphore, #tpu.memory_space<semaphore_mem>>)
    %dma_wait3A_363 = arith.constant 0 : i32
    %dma_wait3A_364 = arith.constant 0 : i32
    %dma_wait3A_365 = tpu.memref_slice %arg6[%dma_wait3A_363, %dma_wait3A_364] : memref<64x1024xf32, #tpu.memory_space<vmem>> -> memref<32x1024xf32, #tpu.memory_space<vmem>>
    %dma_wait3A_366 = arith.constant 480 : i32
    %dma_wait3A_367 = tpu.memref_slice %arg5[%dma_wait3A_366] : memref<512xi32, #tpu.memory_space<vmem>> -> memref<32xi32, #tpu.memory_space<vmem>>
    %dma_wait3A_368 = arith.constant 0 : i32
    %dma_wait3A_369 = arith.constant 0 : i32
    %dma_wait3A_370 = tpu.memref_slice %arg2[%dma_wait3A_368, %dma_wait3A_369] : memref<100000x1024xf32, #tpu.memory_space<hbm>> -> memref<100000x1024xf32, #tpu.memory_space<hbm>>
    tpu.wait_indirect_dma semaphore(%arg8 : memref<!tpu.dma_semaphore, #tpu.memory_space<semaphore_mem>>) src(%dma_wait3A_370 : memref<100000x1024xf32, #tpu.memory_space<hbm>>) dst(%dma_wait3A_365 : memref<32x1024xf32, #tpu.memory_space<vmem>>)
    %add3A_371 = arith.constant 480 : i32
    %add3A_372 = arith.addi %mul3A_32, %add3A_371 : i32
    %dma_start3A_373 = arith.constant 0 : i32
    %dma_start3A_374 = arith.constant 0 : i32
    %dma_start3A_375 = tpu.memref_slice %arg6[%dma_start3A_373, %dma_start3A_374] : memref<64x1024xf32, #tpu.memory_space<vmem>> -> memref<32x1024xf32, #tpu.memory_space<vmem>>
    %dma_start3A_376 = arith.constant 0 : i32
    %dma_start3A_377 = tpu.memref_slice %arg4[%select_n3A, %add3A_372, %dma_start3A_376] : memref<4x4096x1024xf32, #tpu.memory_space<hbm>> -> memref<1x32x1024xf32, #tpu.memory_space<hbm>>
    %dma_start3A_378 = tpu.memref_squeeze %dma_start3A_377 : memref<1x32x1024xf32, #tpu.memory_space<hbm>> -> memref<32x1024xf32, #tpu.memory_space<hbm>>
    %dma_start3A_379 = arith.constant 0 : i32
    %dma_start3A_380 = tpu.memref_slice %arg4[%select_n3A, %add3A_372, %dma_start3A_379] : memref<4x4096x1024xf32, #tpu.memory_space<hbm>> -> memref<1x32x1024xf32, #tpu.memory_space<hbm>>
    %dma_start3A_381 = tpu.memref_squeeze %dma_start3A_380 : memref<1x32x1024xf32, #tpu.memory_space<hbm>> -> memref<32x1024xf32, #tpu.memory_space<hbm>>
    %dma_start3A_382 = arith.constant 0 : i32
    %dma_start3A_383 = arith.constant 0 : i32
    %dma_start3A_384 = tpu.memref_slice %arg6[%dma_start3A_382, %dma_start3A_383] : memref<64x1024xf32, #tpu.memory_space<vmem>> -> memref<32x1024xf32, #tpu.memory_space<vmem>>
    tpu.enqueue_dma source(%dma_start3A_384 : memref<32x1024xf32, #tpu.memory_space<vmem>>) target(%dma_start3A_381 : memref<32x1024xf32, #tpu.memory_space<hbm>>) target_semaphore(%arg10 : memref<!tpu.dma_semaphore, #tpu.memory_space<semaphore_mem>>)
    %dma_wait3A_385 = arith.constant 0 : i32
    %dma_wait3A_386 = arith.constant 0 : i32
    %dma_wait3A_387 = tpu.memref_slice %arg7[%dma_wait3A_385, %dma_wait3A_386] : memref<56x1024xf32, #tpu.memory_space<vmem>> -> memref<56x1024xf32, #tpu.memory_space<vmem>>
    %dma_wait3A_388 = arith.constant 0 : i32
    %dma_wait3A_389 = tpu.memref_slice %arg4[%select_n3A, %add3A_350, %dma_wait3A_388] : memref<4x4096x1024xf32, #tpu.memory_space<hbm>> -> memref<1x56x1024xf32, #tpu.memory_space<hbm>>
    %dma_wait3A_390 = tpu.memref_squeeze %dma_wait3A_389 : memref<1x56x1024xf32, #tpu.memory_space<hbm>> -> memref<56x1024xf32, #tpu.memory_space<hbm>>
    %dma_wait3A_391 = arith.constant 0 : i32
    %dma_wait3A_392 = tpu.memref_slice %arg4[%select_n3A, %add3A_350, %dma_wait3A_391] : memref<4x4096x1024xf32, #tpu.memory_space<hbm>> -> memref<1x56x1024xf32, #tpu.memory_space<hbm>>
    %dma_wait3A_393 = tpu.memref_squeeze %dma_wait3A_392 : memref<1x56x1024xf32, #tpu.memory_space<hbm>> -> memref<56x1024xf32, #tpu.memory_space<hbm>>
    %dma_wait3A_394 = arith.constant 0 : i32
    %dma_wait3A_395 = arith.constant 0 : i32
    %dma_wait3A_396 = tpu.memref_slice %arg7[%dma_wait3A_394, %dma_wait3A_395] : memref<56x1024xf32, #tpu.memory_space<vmem>> -> memref<56x1024xf32, #tpu.memory_space<vmem>>
    tpu.wait_dma2 semaphore(%arg11 : memref<!tpu.dma_semaphore, #tpu.memory_space<semaphore_mem>>) src(%dma_wait3A_396 : memref<56x1024xf32, #tpu.memory_space<vmem>>) dst(%dma_wait3A_393 : memref<56x1024xf32, #tpu.memory_space<hbm>>)
    %dma_wait3A_397 = arith.constant 0 : i32
    %dma_wait3A_398 = arith.constant 0 : i32
    %dma_wait3A_399 = tpu.memref_slice %arg6[%dma_wait3A_397, %dma_wait3A_398] : memref<64x1024xf32, #tpu.memory_space<vmem>> -> memref<32x1024xf32, #tpu.memory_space<vmem>>
    %dma_wait3A_400 = arith.constant 0 : i32
    %dma_wait3A_401 = tpu.memref_slice %arg4[%select_n3A, %add3A_372, %dma_wait3A_400] : memref<4x4096x1024xf32, #tpu.memory_space<hbm>> -> memref<1x32x1024xf32, #tpu.memory_space<hbm>>
    %dma_wait3A_402 = tpu.memref_squeeze %dma_wait3A_401 : memref<1x32x1024xf32, #tpu.memory_space<hbm>> -> memref<32x1024xf32, #tpu.memory_space<hbm>>
    %dma_wait3A_403 = arith.constant 0 : i32
    %dma_wait3A_404 = tpu.memref_slice %arg4[%select_n3A, %add3A_372, %dma_wait3A_403] : memref<4x4096x1024xf32, #tpu.memory_space<hbm>> -> memref<1x32x1024xf32, #tpu.memory_space<hbm>>
    %dma_wait3A_405 = tpu.memref_squeeze %dma_wait3A_404 : memref<1x32x1024xf32, #tpu.memory_space<hbm>> -> memref<32x1024xf32, #tpu.memory_space<hbm>>
    %dma_wait3A_406 = arith.constant 0 : i32
    %dma_wait3A_407 = arith.constant 0 : i32
    %dma_wait3A_408 = tpu.memref_slice %arg6[%dma_wait3A_406, %dma_wait3A_407] : memref<64x1024xf32, #tpu.memory_space<vmem>> -> memref<32x1024xf32, #tpu.memory_space<vmem>>
    tpu.wait_dma2 semaphore(%arg10 : memref<!tpu.dma_semaphore, #tpu.memory_space<semaphore_mem>>) src(%dma_wait3A_408 : memref<32x1024xf32, #tpu.memory_space<vmem>>) dst(%dma_wait3A_405 : memref<32x1024xf32, #tpu.memory_space<hbm>>)
    return
  }
}

</mosaic_0001>

<sc_bundles>
// kernel: kernel.3.cloned.1.call-start
scs
__scs_entry_jumppad:
0x0: {  	(pc) =	sbr.rel $0x88, $3  }
0x1: {  	(tag) =	ssettag $0x0;
	lr =	simm.s32 $0x1  }
0x2: {  	[smem:$0x3F9F] =	sst lr;
	_ =	strace $0xD0000000  }
0x3: {  	_ = 	snop  }
0x4: {  	_ = 	snop  }
0x5: {  	_ = 	snop  }
0x6: {  	_ = 	snop  }
0x7: {  	_ = 	snop  }
__scs_overlays_trampoline_lowered:
0x8: {  	[smem:$0x3FAE] =	sst s0  }
0x9: {  	[smem:$0x3FAF] =	sst s1  }
0xa: {  	[smem:$0x3FB0] =	sst s2  }
0xb: {  	[smem:$0x3FB1] =	sst s3  }
0xc: {  	[smem:$0x3FB2] =	sst s4  }
0xd: {  	[smem:$0x3FB3] =	sst s5  }
0xe: {  	[smem:$0x3FB4] =	sst s6  }
0xf: {  	[smem:$0x3FB5] =	sst s7  }
0x10: {  	[smem:$0x3FB6] =	sst s8  }
0x11: {  	[smem:$0x3FB7] =	sst s9;
	s0 =	simm.s32 @!p0 $0x0  }
0x12: {  	s1 =	sld [smem:$0x3F9D];
	s0 =	simm.s32 @p0 $0x1  }
0x13: {  	[smem:$0x3FB8] =	sst s0;
	s0 =	simm.s32 @!p1 $0x0  }
0x14: {  	s2 =	sld [smem:$0x3F9C];
	s0 =	simm.s32 @p1 $0x1  }
0x15: {  	[smem:$0x3FB9] =	sst s0;
	s0 =	simm.s32 @!p2 $0x0  }
0x16: {  	s3 =	sld [smem:$0x3FDB];
	s0 =	simm.s32 @p2 $0x1  }
0x17: {  	s4 =	simm.s32 $0x1BF5;
	[smem:$0x3FBB] =	sst s0  }
0x18: {  	s0 =	sld [smem:$0x3F9E];
	_ =	swait.ge [sflag:s4], $0x0  }
0x19: {  	s7 =	sld [smem:$0x3F9F]  }
0x1a: {  	s8 =	sadd.s32 $0xFFFFE003, lr  }
0x1b: {  	s9 =	sadd.s32 $0xFFFFFEF7, lr;
	s5 =	simm.s32 $0xFFFFFFFF;
	p2 =	slt.u32 s8, $0xFFFFF086  }
0x1c: {  	p1 =	slt.u32 s9, $0xF7A;
	s5 =	simm.s32 @!p2 $0x0  }
0x1d: {  	s5 =	simm.s32 @p1 $0x1;
	p0 =	seq.s32 s7, s2  }
0x1e: {  	s7 =	smul.u32 @!p0 $0xF7A, s2;
	p2 =	seq.s32 @!p0 s5, $0x0  }
0x1f: {  	s9 =	smul.u32 $0xF7A, s1;
	s8 =	simm.s32 @!p0 $0x1BF5;
	p2 =	por !p2, p0  }
0x20: {  	[sflag:s8] =	ssyncset.s32 @!p0 $0xFFFFF086;
	s6 =	sadd.s32 @!p0 s3, s7;
	s7 =	simm.s32 @!p0 $0x108  }
0x21: {  	s3 =	sadd.s32 s3, s9;
	s6 =	sadd.s32 @!p0 $0x88, s6;
	s7 =	simm.s32 @p2 $0x1082  }
0x22: {  	[simem:s7], [sflag:s8] =	dma.local @!p0 [hbm:s6], $0xF7A  }
0x23: {  	s9 =	sor.u32 $0xD0000000, s2;
	s6 =	simm.s32 $0x108;
	_ =	swait.ge @!p0 [sflag:s8], $0x0  }
0x24: {  	s3 =	sadd.s32 $0x88, s3;
	s6 =	simm.s32 @!p1 $0x1082;
	[sflag:s4] =	ssyncset.s32 $0xFFFFF086  }
0x25: {  	[simem:s6], [sflag:s4] =	dma.local [hbm:s3], $0xF7A  }
0x26: {  	[smem:$0x3F9F] =	sst s1;
	(tag) =	ssettag s2;
	_ =	strace s9  }
0x27: {  	s1 =	sld [smem:$0x3FAF]  }
0x28: {  	s2 =	sld [smem:$0x3FB0]  }
0x29: {  	s4 =	sld [smem:$0x3FB2]  }
0x2a: {  	p0 =	seq.s32 s5, $0x0;
	s5 =	sld [smem:$0x3FB3]  }
0x2b: {  	s6 =	sld [smem:$0x3FB4]  }
0x2c: {  	s7 =	sld [smem:$0x3FB5]  }
0x2d: {  	s3 =	simm.s32 $0x108;
	s8 =	sld [smem:$0x3FB6]  }
0x2e: {  	s3 =	simm.s32 @!p0 $0x1082;
	s9 =	sld [smem:$0x3FB7]  }
0x2f: {  	lr =	sadd.s32 s0, s3;
	s0 =	sld [smem:$0x3FAE]  }
0x30: {  	s3 =	sld [smem:$0x3FB1]  }
0x31: {  	[smem:$0x3FBA] =	sst s10  }
0x32: {  	s10 =	sld [smem:$0x3FB8];
	_ =	sdelay $0x3  }
0x33: {  	p0 =	seq.s32 s10, $0x1;
	s10 =	sld [smem:$0x3FBA];
	_ =	sdelay $0x3  }
0x34: {  	[smem:$0x3FBA] =	sst s10  }
0x35: {  	s10 =	sld [smem:$0x3FB9];
	_ =	sdelay $0x3  }
0x36: {  	p1 =	seq.s32 s10, $0x1;
	s10 =	sld [smem:$0x3FBA];
	_ =	sdelay $0x3  }
0x37: {  	[smem:$0x3FBA] =	sst s10  }
0x38: {  	s10 =	sld [smem:$0x3FBB]  }
0x39: {  	_ = 	snop;
	(pc) =	sbr.ind lr, $3  }
0x3a: {  	_ = 	snop  }
0x3b: {  	_ = 	snop  }
0x3c: {  	p2 =	seq.s32 s10, $0x1;
	s10 =	sld [smem:$0x3FBA]  }
0x3d: {  	_ =	shalt  }
0x3e: {  	_ =	shalt  }
0x3f: {  	_ =	shalt  }
0x40: {  	_ =	shalt  }
0x41: {  	_ =	shalt  }
0x42: {  	_ =	shalt  }
0x43: {  	_ =	shalt  }
0x44: {  	_ =	shalt  }
0x45: {  	_ =	shalt  }
0x46: {  	_ =	shalt  }
0x47: {  	_ =	shalt  }
0x48: {  	_ =	shalt  }
0x49: {  	_ =	shalt  }
0x4a: {  	_ =	shalt  }
0x4b: {  	_ =	shalt  }
0x4c: {  	_ =	shalt  }
0x4d: {  	_ =	shalt  }
0x4e: {  	_ =	shalt  }
0x4f: {  	_ =	shalt  }
0x50: {  	_ =	shalt  }
0x51: {  	_ =	shalt  }
0x52: {  	_ =	shalt  }
0x53: {  	_ =	shalt  }
0x54: {  	_ =	shalt  }
0x55: {  	_ =	shalt  }
0x56: {  	_ =	shalt  }
0x57: {  	_ =	shalt  }
0x58: {  	_ =	shalt  }
0x59: {  	_ =	shalt  }
0x5a: {  	_ =	shalt  }
0x5b: {  	_ =	shalt  }
0x5c: {  	_ =	shalt  }
0x5d: {  	_ =	shalt  }
0x5e: {  	_ =	shalt  }
0x5f: {  	_ =	shalt  }
0x60: {  	_ =	shalt  }
0x61: {  	_ =	shalt  }
0x62: {  	_ =	shalt  }
0x63: {  	_ =	shalt  }
0x64: {  	_ =	shalt  }
0x65: {  	_ =	shalt  }
0x66: {  	_ =	shalt  }
0x67: {  	_ =	shalt  }
0x68: {  	_ =	shalt  }
0x69: {  	_ =	shalt  }
0x6a: {  	_ =	shalt  }
0x6b: {  	_ =	shalt  }
0x6c: {  	_ =	shalt  }
0x6d: {  	_ =	shalt  }
0x6e: {  	_ =	shalt  }
0x6f: {  	_ =	shalt  }
0x70: {  	_ =	shalt  }
0x71: {  	_ =	shalt  }
0x72: {  	_ =	shalt  }
0x73: {  	_ =	shalt  }
0x74: {  	_ =	shalt  }
0x75: {  	_ =	shalt  }
0x76: {  	_ =	shalt  }
0x77: {  	_ =	shalt  }
0x78: {  	_ =	shalt  }
0x79: {  	_ =	shalt  }
0x7a: {  	_ =	shalt  }
0x7b: {  	_ =	shalt  }
0x7c: {  	_ =	shalt  }
0x7d: {  	_ =	shalt  }
0x7e: {  	_ =	shalt  }
0x7f: {  	_ =	shalt  }
0x80: {  	_ =	shalt  }
0x81: {  	_ =	shalt  }
0x82: {  	_ =	shalt  }
0x83: {  	_ =	shalt  }
0x84: {  	_ =	shalt  }
0x85: {  	_ =	shalt  }
0x86: {  	_ =	shalt  }
0x87: {  	_ =	shalt  }
.Lfunc_end0:
.L_simem_size_0:
called_computation_lowered:
.L_overlay_start_0:
0x88: {  	s2 =	sld [smem:$0x3FD9]  }
0x89: {  	s3 =	sld [smem:$0x3FFE];
	_ =	sdelay $0x1  }
0x8a: {  	s1 =	srdreg.scid  }
0x8b: {  	s0 =	sand.u32 $0x1, s1  }
0x8c: {  	s18 =	sshll.u32 s0, $0xA;
	s2 =	sadd.s32 s3, s2  }
0x8d: {  	s2 =	sadd.s32 s2, s18  }
0x8e: {  	[smem:$0x3FC6] =	sst s2  }
0x8f: {  	_ = 	snop  }
0x90: {  	s2 =	sld [smem:$0x3FC9]  }
0x91: {  	s19 =	sld [smem:$0x3FC8]  }
0x92: {  	s4 =	sld [smem:$0x3FD0];
	(tm) =	ssettm $0x1  }
0x93: {  	s5 =	sld [smem:$0x3FFB];
	_ =	sdelay $0x3  }
0x94: {  	_ =	strace s5  }
0x95: {  	s5 =	sld [smem:$0x3FFC];
	_ =	sdelay $0x3  }
0x96: {  	_ =	strace s5  }
0x97: {  	s5 =	sld [smem:$0x3FFD];
	_ =	sdelay $0x3  }
0x98: {  	_ =	strace s5  }
0x99: {  	_ =	strace $0x8FFFFFFF  }
0x9a: {  	s20 =	sld [smem:$0x3FDB];
	_ =	sdelay $0x1  }
0x9b: {  	s6 =	simm.s32 $_scs_section_size  }
0x9c: {  	s7 =	simm.s32 $_size__tile_overlayer_lowered;
	s8 =	simm.s32 $_tile_overlayer_lowered  }
0x9d: {  	s23 =	simm.s32 $0x1BFF;
	s22 =	sshll.u32 s8, $0x1;
	s5 =	sadd.s32 s6, s20  }
0x9e: {  	s9 =	simm.s32 $0x0;
	s21 =	sshll.u32 s7, $0x1;
	s7 =	sadd.s32 s22, s5  }
0x9f: {  	[timem:s9], [sflag:s23] =	dma.local [hbm:s7], s21  }
0xa0: {  	_ =	swait.ge [sflag:s23], s21  }
0xa1: {  	s6 =	ssub.s32 $0x0, s21;
	[sflag:s23] =	ssyncset.done $0x0  }
0xa2: {  	[sflag:s23] =	ssyncadd.s32 s6;
	_ =	sdelay $0x1  }
0xa3: {  	s24 =	simm.s32 $0x1B8B  }
0xa4: {  	_ =	swait.ge [sflag:s24], $0x1  }
0xa5: {  	[sflag:s24] =	ssyncset.done $0x0  }
0xa6: {  	s25 =	simm.s32 $0x1B8E;
	[sflag:s24] =	ssyncadd.s32 $0xFFFFFFFF  }
0xa7: {  	s26 =	simm.s32 $execute0_lowered;
	[smem:$0x3FD2] =	sst s25  }
0xa8: {  	s6 =	sshll.u32 s26, $0x1;
	_ =	strace $0x80000046;
	[dreg:$0x1] =	wrdreg $0xFFFFFFFF  }
0xa9: {  	s28 =	simm.s32 $_size_execute0_lowered;
	s5 =	sadd.s32 s5, s6;
	[dreg:$0x0] =	wrdreg $0x0  }
0xaa: {  	s6 =	sshll.u32 s28, $0x1;
	[dreg:$0x2] =	wrdreg s5  }
0xab: {  	[dreg:$0x3] =	wrdreg s6  }
0xac: {  	[dreg:$0x4] =	wrdreg $0xC0  }
0xad: {  	_ =	task [dreg:s9], $0x5FFFF  }
0xae: {  	[dreg:$0x1] =	wrdreg $0xFFFFFFFF  }
0xaf: {  	[dreg:$0x0] =	wrdreg $0x60  }
0xb0: {  	[dreg:$0x2] =	wrdreg s19  }
0xb1: {  	[dreg:$0x3] =	wrdreg s2  }
0xb2: {  	[dreg:$0x4] =	wrdreg s4  }
0xb3: {  	[dreg:$0x5] =	wrdreg $0x9  }
0xb4: {  	_ =	task.clear_ibuf [dreg:s9], $0x6FFFF;
	_ =	strace $0x90000046  }
0xb5: {  	s29 =	simm.s32 $0x9;
	_ =	strace $0x80000048  }
0xb6: {  	_ =	swait.ge [sflag:s29], $0x1  }
0xb7: {  	[sflag:s29] =	ssyncadd.s32 $0xFFFFFFFF  }
0xb8: {  	_ =	strace $0x90000048  }
0xb9: {  	_ =	sfence  }
0xba: {  	s30 =	sld [smem:$0x0];
	_ =	sdelay $0x2  }
0xbb: {  	s31 =	sshll.u32 s1, $0xD;
	s1 =	sshrl.u32 s1, $0x2  }
0xbc: {  	s3 =	sand.u32 $0x4000, s31;
	s1 =	sadd.s32 s1, s30  }
0xbd: {  	s0 =	sor.u32 s3, s0;
	s1 =	sshll.u32 s1, $0x11  }
0xbe: {  	s0 =	sor.u32 s1, s0  }
0xbf: {  	s0 =	sadd.s32 $0x8F2B, s0  }
0xc0: {  	[sflag:s0] =	ssyncadd.remote.s32 $0x1  }
0xc1: {  	_ =	sfence.sel $0xFFFF  }
0xc2: {  	[dreg:$0x0] =	wrdreg $0xFFFFFFFF;
	(pc) =	sbr.abs _section_cstart, $3  }
0xc3: {  	[dreg:$0x1] =	wrdreg $0xFFFFFFFF  }
0xc4: {  	_ =	task.clear_ibuf [dreg:s9], $0x2FFFF;
	_ =	strace $0x9FFFFFFF  }
0xc5: {  	(tm) =	ssettm $0x7FFFFFFF  }
tec
execute0_lowered:
.L_overlay_start_1:
0x0: {  	(tag) =	ssettag $0x1  }
0x1: {  	s2 =	rddreg [dreg:$0x0]  }
0x2: {  	s0 =	rddreg [dreg:$0x1]  }
0x3: {  	s1 =	rddreg [dreg:$0x2]  }
0x4: {  	s6 =	stileid.u32;
	s4 =	srdreg.scid;
	s3 =	simm.s32 $0x0  }
0x5: {  	s28 =	simm.s32 $0x80;
	s9 =	simm.s32 $0x200;
	s29 =	simm.s32 $0x1  }
0x6: {  	s5 =	sshll.u32 s6, $0x1;
	s4 =	sand.u32 $0x1, s4;
	s6 =	sshrl.u32 s6, $0x2  }
0x7: {  	[smem:$0x7FF] =	sst s3;
	s5 =	sand.u32 $0x6, s5;
	s8 =	sshll.u32 s6, $0x4  }
0x8: {  	s6 =	sshll.u32 s6, $0x13;
	_ =	strace $0x80000047;
	s5 =	sor.u32 s4, s5  }
0x9: {  	s0 =	sadd.s32 s0, s8;
	s7 =	sshll.u32 s5, $0x10;
	s5 =	sshll.u32 s5, $0x8  }
0xa: {  	[dreg:$0xd] =	wrdreg s28;
	s6 =	sor.u32 s6, s7;
	s0 =	sadd.s32 s5, s0  }
0xb: {  	s30 =	simm.s32 $0x3;
	s17 =	sadd.s32 s1, s6;
	[dreg:$0x4] =	wrdreg s0  }
0xc: {  	s31 =	simm.s32 $0x2;
	s18 =	sadd.s32 $0x2000, s17;
	[dreg:$0xe] =	wrdreg s17  }
0xd: {  	s20 =	ssub.s32 $0x2, s4;
	s19 =	sadd.s32 $0x3C00, s17;
	[dreg:$0x5] =	wrdreg s18  }
0xe: {  	s4 =	sshrl.u32 s20, $0x1;
	s21 =	sadd.s32 $0x5C00, s17;
	[dreg:$0x6] =	wrdreg s19  }
0xf: {  	s5 =	sadd.s32 $0x100, s2;
	s22 =	sadd.s32 $0x7800, s17;
	[dreg:$0x7] =	wrdreg s21  }
0x10: {  	s7 =	sadd.s32 $0x300, s2;
	s23 =	sadd.s32 $0x9800, s17;
	[dreg:$0x8] =	wrdreg s22  }
0x11: {  	s1 =	ssub.s32 s20, s4;
	s24 =	sadd.s32 $0xB400, s17;
	[dreg:$0x9] =	wrdreg s23  }
0x12: {  	v2 =	vlaneseq.u32;
	s6 =	sadd.s32 $0x200, s2;
	s25 =	sadd.s32 $0xD400, s17;
	[dreg:$0xa] =	wrdreg s24  }
0x13: {  	vm0 =	vmmov $0xffff;
	v1 =	vshrl.u32 v2, $0x3;
	s0 =	simm.s32 $0x4;
	s26 =	sadd.s32 $0xF000, s17;
	[dreg:$0xb] =	wrdreg s25  }
0x14: {  	v0 =	vand.u32 $0x7, v2;
	v2 =	vor.u32 $0x8, v2;
	v1 =	vmul.u32 $0x8, v1;
	s4 =	simm.s32 $0x10200;
	s8 =	smax.u32 s1, $0x1;
	[dreg:$0xc] =	wrdreg s26  }
.LBB2_1:
0x15: {  	s1 =	rddreg [dreg:$0x4]  }
0x16: {  	s10 =	rddreg [dreg:$0xd];
	s21 =	simm.s32 $0x5  }
0x17: {  	[tilespmem:s3], [sflag:$0x5] =	stream.strided.gather [hbm4b:s1+s10], $0x200, s9, s10, $0x38;
	[tilespmem:$0x1E200] =	vst v63  }
0x18: {  	_ =	swait.ge [sflag:s21], $0x200  }
0x19: {  	[sflag:s21] =	ssyncset.done $0x0  }
0x1a: {  	[sflag:s21] =	ssyncadd.s32 $0xFFFFFE00  }
0x1b: {  	v3 =	vld [tilespmem:$0x0];
	_ =	sdelay $0x4  }
0x1c: {  	v4 =	vshll.u32 v3, $0x3  }
0x1d: {  	v3 =	vand.u32 $0x7, v3;
	v4 =	vand.u32 $0xFFFFFFC0, v4  }
0x1e: {  	v3 =	vor.u32 v3, v4  }
0x1f: {  	v4 =	vperm.xlane v3, v0;
	_ =	sdelay $0x1  }
0x20: {  	v4 =	vadd.s32 v1, v4;
	_ =	sdelay $0x4  }
0x21: {  	[tilespmem:s9], [sflag:$0x1] =	stream.indirect_vreg.gather [hbm4b:s2+s3], $0x80, v4, vm0, $0xb8;
	[tilespmem:$0x1E200] =	vst v63  }
0x22: {  	s22 =	simm.s32 $0xA00;
	v3 =	vperm.xlane v3, v2  }
0x23: {  	[tilespmem:s22], [sflag:$0x1] =	stream.indirect_vreg.gather [hbm4b:s5+s3], $0x80, v4, vm0, $0xb8;
	[tilespmem:$0x1E200] =	vst v63  }
0x24: {  	s23 =	simm.s32 $0x1200;
	v3 =	vadd.s32 v1, v3  }
0x25: {  	[tilespmem:s23], [sflag:$0x1] =	stream.indirect_vreg.gather [hbm4b:s6+s3], $0x80, v4, vm0, $0xb8;
	[tilespmem:$0x1E200] =	vst v63  }
0x26: {  	s25 =	simm.s32 $0x1A00  }
0x27: {  	[tilespmem:s25], [sflag:$0x1] =	stream.indirect_vreg.gather [hbm4b:s7+s3], $0x80, v4, vm0, $0xb8;
	[tilespmem:$0x1E200] =	vst v63  }
0x28: {  	s26 =	simm.s32 $0x2200  }
0x29: {  	[tilespmem:s26], [sflag:$0x1] =	stream.indirect_vreg.gather [hbm4b:s2+s3], $0x80, v3, vm0, $0xb8;
	[tilespmem:$0x1E200] =	vst v63  }
0x2a: {  	s28 =	simm.s32 $0x2A00  }
0x2b: {  	[tilespmem:s28], [sflag:$0x1] =	stream.indirect_vreg.gather [hbm4b:s5+s3], $0x80, v3, vm0, $0xb8;
	[tilespmem:$0x1E200] =	vst v63  }
0x2c: {  	s10 =	simm.s32 $0x3200  }
0x2d: {  	[tilespmem:s10], [sflag:$0x1] =	stream.indirect_vreg.gather [hbm4b:s6+s3], $0x80, v3, vm0, $0xb8;
	[tilespmem:$0x1E200] =	vst v63  }
0x2e: {  	s11 =	simm.s32 $0x3A00  }
0x2f: {  	[tilespmem:s11], [sflag:$0x1] =	stream.indirect_vreg.gather [hbm4b:s7+s3], $0x80, v3, vm0, $0xb8;
	[tilespmem:$0x1E200] =	vst v63  }
0x30: {  	v3 =	vld [tilespmem:$0x10];
	_ =	sdelay $0x4  }
0x31: {  	v31 =	vshll.u32 v3, $0x3  }
0x32: {  	v3 =	vand.u32 $0x7, v3;
	v4 =	vand.u32 $0xFFFFFFC0, v31  }
0x33: {  	v3 =	vor.u32 v3, v4  }
0x34: {  	v4 =	vperm.xlane v3, v0;
	_ =	sdelay $0x1  }
0x35: {  	v4 =	vadd.s32 v1, v4;
	_ =	sdelay $0x3  }
0x36: {  	s12 =	simm.s32 $0x4200  }
0x37: {  	[tilespmem:s12], [sflag:$0x1] =	stream.indirect_vreg.gather [hbm4b:s2+s3], $0x80, v4, vm0, $0xb8;
	[tilespmem:$0x1E200] =	vst v63  }
0x38: {  	s13 =	simm.s32 $0x4A00;
	v3 =	vperm.xlane v3, v2  }
0x39: {  	[tilespmem:s13], [sflag:$0x1] =	stream.indirect_vreg.gather [hbm4b:s5+s3], $0x80, v4, vm0, $0xb8;
	[tilespmem:$0x1E200] =	vst v63  }
0x3a: {  	s14 =	simm.s32 $0x5200;
	v3 =	vadd.s32 v1, v3  }
0x3b: {  	[tilespmem:s14], [sflag:$0x1] =	stream.indirect_vreg.gather [hbm4b:s6+s3], $0x80, v4, vm0, $0xb8;
	[tilespmem:$0x1E200] =	vst v63  }
0x3c: {  	s15 =	simm.s32 $0x5A00  }
0x3d: {  	[tilespmem:s15], [sflag:$0x1] =	stream.indirect_vreg.gather [hbm4b:s7+s3], $0x80, v4, vm0, $0xb8;
	[tilespmem:$0x1E200] =	vst v63  }
0x3e: {  	s16 =	simm.s32 $0x6200  }
0x3f: {  	[tilespmem:s16], [sflag:$0x1] =	stream.indirect_vreg.gather [hbm4b:s2+s3], $0x80, v3, vm0, $0xb8;
	[tilespmem:$0x1E200] =	vst v63  }
0x40: {  	s17 =	simm.s32 $0x6A00  }
0x41: {  	[tilespmem:s17], [sflag:$0x1] =	stream.indirect_vreg.gather [hbm4b:s5+s3], $0x80, v3, vm0, $0xb8;
	[tilespmem:$0x1E200] =	vst v63  }
0x42: {  	s18 =	simm.s32 $0x7200  }
0x43: {  	[tilespmem:s18], [sflag:$0x1] =	stream.indirect_vreg.gather [hbm4b:s6+s3], $0x80, v3, vm0, $0xb8;
	[tilespmem:$0x1E200] =	vst v63  }
0x44: {  	s22 =	simm.s32 $0x7A00  }
0x45: {  	[tilespmem:s22], [sflag:$0x1] =	stream.indirect_vreg.gather [hbm4b:s7+s3], $0x80, v3, vm0, $0xb8;
	[tilespmem:$0x1E200] =	vst v63  }
0x46: {  	v3 =	vld [tilespmem:$0x20];
	_ =	sdelay $0x4  }
0x47: {  	v32 =	vshll.u32 v3, $0x3  }
0x48: {  	v3 =	vand.u32 $0x7, v3;
	v4 =	vand.u32 $0xFFFFFFC0, v32  }
0x49: {  	v3 =	vor.u32 v3, v4  }
0x4a: {  	v4 =	vperm.xlane v3, v0;
	_ =	sdelay $0x1  }
0x4b: {  	v4 =	vadd.s32 v1, v4;
	_ =	sdelay $0x3  }
0x4c: {  	s25 =	simm.s32 $0x8200  }
0x4d: {  	[tilespmem:s25], [sflag:$0x1] =	stream.indirect_vreg.gather [hbm4b:s2+s3], $0x80, v4, vm0, $0xb8;
	[tilespmem:$0x1E200] =	vst v63  }
0x4e: {  	s26 =	simm.s32 $0x8A00;
	v3 =	vperm.xlane v3, v2  }
0x4f: {  	[tilespmem:s26], [sflag:$0x1] =	stream.indirect_vreg.gather [hbm4b:s5+s3], $0x80, v4, vm0, $0xb8;
	[tilespmem:$0x1E200] =	vst v63  }
0x50: {  	s28 =	simm.s32 $0x9200;
	v3 =	vadd.s32 v1, v3  }
0x51: {  	[tilespmem:s28], [sflag:$0x1] =	stream.indirect_vreg.gather [hbm4b:s6+s3], $0x80, v4, vm0, $0xb8;
	[tilespmem:$0x1E200] =	vst v63  }
0x52: {  	s12 =	simm.s32 $0x9A00  }
0x53: {  	[tilespmem:s12], [sflag:$0x1] =	stream.indirect_vreg.gather [hbm4b:s7+s3], $0x80, v4, vm0, $0xb8;
	[tilespmem:$0x1E200] =	vst v63  }
0x54: {  	s13 =	simm.s32 $0xA200  }
0x55: {  	[tilespmem:s13], [sflag:$0x1] =	stream.indirect_vreg.gather [hbm4b:s2+s3], $0x80, v3, vm0, $0xb8;
	[tilespmem:$0x1E200] =	vst v63  }
0x56: {  	s14 =	simm.s32 $0xAA00  }
0x57: {  	[tilespmem:s14], [sflag:$0x1] =	stream.indirect_vreg.gather [hbm4b:s5+s3], $0x80, v3, vm0, $0xb8;
	[tilespmem:$0x1E200] =	vst v63  }
0x58: {  	s15 =	simm.s32 $0xB200  }
0x59: {  	[tilespmem:s15], [sflag:$0x1] =	stream.indirect_vreg.gather [hbm4b:s6+s3], $0x80, v3, vm0, $0xb8;
	[tilespmem:$0x1E200] =	vst v63  }
0x5a: {  	s12 =	simm.s32 $0xBA00  }
0x5b: {  	[tilespmem:s12], [sflag:$0x1] =	stream.indirect_vreg.gather [hbm4b:s7+s3], $0x80, v3, vm0, $0xb8;
	[tilespmem:$0x1E200] =	vst v63  }
0x5c: {  	v3 =	vld [tilespmem:$0x30];
	_ =	sdelay $0x4  }
0x5d: {  	v33 =	vshll.u32 v3, $0x3  }
0x5e: {  	v3 =	vand.u32 $0x7, v3;
	v4 =	vand.u32 $0xFFFFFFC0, v33  }
0x5f: {  	v3 =	vor.u32 v3, v4  }
0x60: {  	v4 =	vperm.xlane v3, v0;
	_ =	sdelay $0x1  }
0x61: {  	v4 =	vadd.s32 v1, v4;
	_ =	sdelay $0x3  }
0x62: {  	s13 =	simm.s32 $0xC200  }
0x63: {  	[tilespmem:s13], [sflag:$0x1] =	stream.indirect_vreg.gather [hbm4b:s2+s3], $0x80, v4, vm0, $0xb8;
	[tilespmem:$0x1E200] =	vst v63  }
0x64: {  	s14 =	simm.s32 $0xCA00;
	v3 =	vperm.xlane v3, v2  }
0x65: {  	[tilespmem:s14], [sflag:$0x1] =	stream.indirect_vreg.gather [hbm4b:s5+s3], $0x80, v4, vm0, $0xb8;
	[tilespmem:$0x1E200] =	vst v63  }
0x66: {  	s15 =	simm.s32 $0xD200;
	v3 =	vadd.s32 v1, v3  }
0x67: {  	[tilespmem:s15], [sflag:$0x1] =	stream.indirect_vreg.gather [hbm4b:s6+s3], $0x80, v4, vm0, $0xb8;
	[tilespmem:$0x1E200] =	vst v63  }
0x68: {  	s15 =	simm.s32 $0xDA00  }
0x69: {  	[tilespmem:s15], [sflag:$0x1] =	stream.indirect_vreg.gather [hbm4b:s7+s3], $0x80, v4, vm0, $0xb8;
	[tilespmem:$0x1E200] =	vst v63  }
0x6a: {  	s15 =	simm.s32 $0xE200  }
0x6b: {  	[tilespmem:s15], [sflag:$0x1] =	stream.indirect_vreg.gather [hbm4b:s2+s3], $0x80, v3, vm0, $0xb8;
	[tilespmem:$0x1E200] =	vst v63  }
0x6c: {  	s15 =	simm.s32 $0xEA00  }
0x6d: {  	[tilespmem:s15], [sflag:$0x1] =	stream.indirect_vreg.gather [hbm4b:s5+s3], $0x80, v3, vm0, $0xb8;
	[tilespmem:$0x1E200] =	vst v63  }
0x6e: {  	s15 =	simm.s32 $0xF200  }
0x6f: {  	[tilespmem:s15], [sflag:$0x1] =	stream.indirect_vreg.gather [hbm4b:s6+s3], $0x80, v3, vm0, $0xb8;
	[tilespmem:$0x1E200] =	vst v63  }
0x70: {  	s15 =	simm.s32 $0xFA00  }
0x71: {  	[tilespmem:s15], [sflag:$0x1] =	stream.indirect_vreg.gather [hbm4b:s7+s3], $0x80, v3, vm0, $0xb8;
	[tilespmem:$0x1E200] =	vst v63  }
0x72: {  	v3 =	vld [tilespmem:$0x40];
	_ =	sdelay $0x4  }
0x73: {  	v34 =	vshll.u32 v3, $0x3  }
0x74: {  	v3 =	vand.u32 $0x7, v3;
	v4 =	vand.u32 $0xFFFFFFC0, v34  }
0x75: {  	v3 =	vor.u32 v3, v4  }
0x76: {  	v4 =	vperm.xlane v3, v0;
	_ =	sdelay $0x1  }
0x77: {  	v4 =	vadd.s32 v1, v4;
	_ =	sdelay $0x4  }
0x78: {  	[tilespmem:s4], [sflag:$0x2] =	stream.indirect_vreg.gather [hbm4b:s2+s3], $0x80, v4, vm0, $0xb8;
	[tilespmem:$0x1E200] =	vst v63  }
0x79: {  	s1 =	simm.s32 $0x10A00;
	v3 =	vperm.xlane v3, v2  }
0x7a: {  	[tilespmem:s1], [sflag:$0x2] =	stream.indirect_vreg.gather [hbm4b:s5+s3], $0x80, v4, vm0, $0xb8;
	[tilespmem:$0x1E200] =	vst v63  }
0x7b: {  	v3 =	vadd.s32 v1, v3;
	s1 =	simm.s32 $0x11200  }
0x7c: {  	[tilespmem:s1], [sflag:$0x2] =	stream.indirect_vreg.gather [hbm4b:s6+s3], $0x80, v4, vm0, $0xb8;
	[tilespmem:$0x1E200] =	vst v63  }
0x7d: {  	s1 =	simm.s32 $0x11A00  }
0x7e: {  	[tilespmem:s1], [sflag:$0x2] =	stream.indirect_vreg.gather [hbm4b:s7+s3], $0x80, v4, vm0, $0xb8;
	[tilespmem:$0x1E200] =	vst v63  }
0x7f: {  	s1 =	simm.s32 $0x12200  }
0x80: {  	[tilespmem:s1], [sflag:$0x2] =	stream.indirect_vreg.gather [hbm4b:s2+s3], $0x80, v3, vm0, $0xb8;
	[tilespmem:$0x1E200] =	vst v63  }
0x81: {  	s1 =	simm.s32 $0x12A00  }
0x82: {  	[tilespmem:s1], [sflag:$0x2] =	stream.indirect_vreg.gather [hbm4b:s5+s3], $0x80, v3, vm0, $0xb8;
	[tilespmem:$0x1E200] =	vst v63  }
0x83: {  	s1 =	simm.s32 $0x13200  }
0x84: {  	[tilespmem:s1], [sflag:$0x2] =	stream.indirect_vreg.gather [hbm4b:s6+s3], $0x80, v3, vm0, $0xb8;
	[tilespmem:$0x1E200] =	vst v63  }
0x85: {  	s1 =	simm.s32 $0x13A00  }
0x86: {  	[tilespmem:s1], [sflag:$0x2] =	stream.indirect_vreg.gather [hbm4b:s7+s3], $0x80, v3, vm0, $0xb8;
	[tilespmem:$0x1E200] =	vst v63  }
0x87: {  	v3 =	vld [tilespmem:$0x50];
	_ =	sdelay $0x4  }
0x88: {  	v35 =	vshll.u32 v3, $0x3  }
0x89: {  	v3 =	vand.u32 $0x7, v3;
	v4 =	vand.u32 $0xFFFFFFC0, v35  }
0x8a: {  	v3 =	vor.u32 v3, v4  }
0x8b: {  	v4 =	vperm.xlane v3, v0;
	_ =	sdelay $0x1  }
0x8c: {  	v4 =	vadd.s32 v1, v4;
	_ =	sdelay $0x3  }
0x8d: {  	s1 =	simm.s32 $0x14200  }
0x8e: {  	[tilespmem:s1], [sflag:$0x2] =	stream.indirect_vreg.gather [hbm4b:s2+s3], $0x80, v4, vm0, $0xb8;
	[tilespmem:$0x1E200] =	vst v63  }
0x8f: {  	v3 =	vperm.xlane v3, v2;
	s1 =	simm.s32 $0x14A00  }
0x90: {  	[tilespmem:s1], [sflag:$0x2] =	stream.indirect_vreg.gather [hbm4b:s5+s3], $0x80, v4, vm0, $0xb8;
	[tilespmem:$0x1E200] =	vst v63  }
0x91: {  	v3 =	vadd.s32 v1, v3;
	s1 =	simm.s32 $0x15200  }
0x92: {  	[tilespmem:s1], [sflag:$0x2] =	stream.indirect_vreg.gather [hbm4b:s6+s3], $0x80, v4, vm0, $0xb8;
	[tilespmem:$0x1E200] =	vst v63  }
0x93: {  	s1 =	simm.s32 $0x15A00  }
0x94: {  	[tilespmem:s1], [sflag:$0x2] =	stream.indirect_vreg.gather [hbm4b:s7+s3], $0x80, v4, vm0, $0xb8;
	[tilespmem:$0x1E200] =	vst v63  }
0x95: {  	s1 =	simm.s32 $0x16200  }
0x96: {  	[tilespmem:s1], [sflag:$0x2] =	stream.indirect_vreg.gather [hbm4b:s2+s3], $0x80, v3, vm0, $0xb8;
	[tilespmem:$0x1E200] =	vst v63  }
0x97: {  	s1 =	simm.s32 $0x16A00  }
0x98: {  	[tilespmem:s1], [sflag:$0x2] =	stream.indirect_vreg.gather [hbm4b:s5+s3], $0x80, v3, vm0, $0xb8;
	[tilespmem:$0x1E200] =	vst v63  }
0x99: {  	s1 =	simm.s32 $0x17200  }
0x9a: {  	[tilespmem:s1], [sflag:$0x2] =	stream.indirect_vreg.gather [hbm4b:s6+s3], $0x80, v3, vm0, $0xb8;
	[tilespmem:$0x1E200] =	vst v63  }
0x9b: {  	s1 =	simm.s32 $0x17A00  }
0x9c: {  	[tilespmem:s1], [sflag:$0x2] =	stream.indirect_vreg.gather [hbm4b:s7+s3], $0x80, v3, vm0, $0xb8;
	[tilespmem:$0x1E200] =	vst v63  }
0x9d: {  	v3 =	vld [tilespmem:$0x60];
	_ =	sdelay $0x4  }
0x9e: {  	v36 =	vshll.u32 v3, $0x3  }
0x9f: {  	v3 =	vand.u32 $0x7, v3;
	v4 =	vand.u32 $0xFFFFFFC0, v36  }
0xa0: {  	v3 =	vor.u32 v3, v4  }
0xa1: {  	v4 =	vperm.xlane v3, v0;
	_ =	sdelay $0x1  }
0xa2: {  	v4 =	vadd.s32 v1, v4;
	_ =	sdelay $0x3  }
0xa3: {  	s1 =	simm.s32 $0x18200  }
0xa4: {  	[tilespmem:s1], [sflag:$0x2] =	stream.indirect_vreg.gather [hbm4b:s2+s3], $0x80, v4, vm0, $0xb8;
	[tilespmem:$0x1E200] =	vst v63  }
0xa5: {  	v3 =	vperm.xlane v3, v2;
	s1 =	simm.s32 $0x18A00  }
0xa6: {  	[tilespmem:s1], [sflag:$0x2] =	stream.indirect_vreg.gather [hbm4b:s5+s3], $0x80, v4, vm0, $0xb8;
	[tilespmem:$0x1E200] =	vst v63  }
0xa7: {  	v3 =	vadd.s32 v1, v3;
	s1 =	simm.s32 $0x19200  }
0xa8: {  	[tilespmem:s1], [sflag:$0x2] =	stream.indirect_vreg.gather [hbm4b:s6+s3], $0x80, v4, vm0, $0xb8;
	[tilespmem:$0x1E200] =	vst v63  }
0xa9: {  	s1 =	simm.s32 $0x19A00  }
0xaa: {  	[tilespmem:s1], [sflag:$0x2] =	stream.indirect_vreg.gather [hbm4b:s7+s3], $0x80, v4, vm0, $0xb8;
	[tilespmem:$0x1E200] =	vst v63  }
0xab: {  	s1 =	simm.s32 $0x1A200  }
0xac: {  	[tilespmem:s1], [sflag:$0x2] =	stream.indirect_vreg.gather [hbm4b:s2+s3], $0x80, v3, vm0, $0xb8;
	[tilespmem:$0x1E200] =	vst v63  }
0xad: {  	s1 =	simm.s32 $0x1AA00  }
0xae: {  	[tilespmem:s1], [sflag:$0x2] =	stream.indirect_vreg.gather [hbm4b:s5+s3], $0x80, v3, vm0, $0xb8;
	[tilespmem:$0x1E200] =	vst v63  }
0xaf: {  	s1 =	simm.s32 $0x1B200  }
0xb0: {  	[tilespmem:s1], [sflag:$0x2] =	stream.indirect_vreg.gather [hbm4b:s6+s3], $0x80, v3, vm0, $0xb8;
	[tilespmem:$0x1E200] =	vst v63  }
0xb1: {  	s1 =	simm.s32 $0x1BA00  }
0xb2: {  	[tilespmem:s1], [sflag:$0x2] =	stream.indirect_vreg.gather [hbm4b:s7+s3], $0x80, v3, vm0, $0xb8;
	[tilespmem:$0x1E200] =	vst v63  }
0xb3: {  	v3 =	vld.msk [tilespmem:$0x70], $0xff;
	_ =	sdelay $0x4  }
0xb4: {  	v37 =	vshll.u32 v3, $0x3  }
0xb5: {  	v3 =	vand.u32 $0x7, v3;
	v4 =	vand.u32 $0xFFFFFFC0, v37  }
0xb6: {  	v3 =	vor.u32 v3, v4  }
0xb7: {  	v3 =	vperm.xlane v3, v0;
	_ =	sdelay $0x1  }
0xb8: {  	v3 =	vadd.s32 v1, v3;
	_ =	sdelay $0x3  }
0xb9: {  	s1 =	simm.s32 $0x1C200  }
0xba: {  	[tilespmem:s1], [sflag:$0x2] =	stream.indirect_vreg.gather [hbm4b:s2+s3], $0x80, v3, vm0, $0xb8;
	[tilespmem:$0x1E200] =	vst v63  }
0xbb: {  	s1 =	simm.s32 $0x1CA00  }
0xbc: {  	[tilespmem:s1], [sflag:$0x2] =	stream.indirect_vreg.gather [hbm4b:s5+s3], $0x80, v3, vm0, $0xb8;
	[tilespmem:$0x1E200] =	vst v63  }
0xbd: {  	s1 =	simm.s32 $0x1D200  }
0xbe: {  	[tilespmem:s1], [sflag:$0x2] =	stream.indirect_vreg.gather [hbm4b:s6+s3], $0x80, v3, vm0, $0xb8;
	[tilespmem:$0x1E200] =	vst v63  }
0xbf: {  	s1 =	simm.s32 $0x1DA00  }
0xc0: {  	[tilespmem:s1], [sflag:$0x2] =	stream.indirect_vreg.gather [hbm4b:s7+s3], $0x80, v3, vm0, $0xb8;
	[tilespmem:$0x1E200] =	vst v63  }
0xc1: {  	_ =	swait.ge [sflag:s29], $0x10000  }
0xc2: {  	[sflag:s29] =	ssyncset.done $0x0  }
0xc3: {  	s1 =	rddreg [dreg:$0xe];
	[sflag:s29] =	ssyncadd.s32 $0xFFFF0000  }
0xc4: {  	[hbm4b:s1+s3] =	stream.linear.scatter [tilespmem:s9], [sflag:$0x3], $0x10000, $0x38;
	[tilespmem:$0x1E200] =	vst v63  }
0xc5: {  	_ =	swait.ge [sflag:s30], $0x10000  }
0xc6: {  	[sflag:s30] =	ssyncset.done $0x0  }
0xc7: {  	[sflag:s30] =	ssyncadd.s32 $0xFFFF0000  }
0xc8: {  	v3 =	vld [tilespmem:$0x78];
	_ =	sdelay $0x4  }
0xc9: {  	v38 =	vshll.u32 v3, $0x3  }
0xca: {  	v3 =	vand.u32 $0x7, v3;
	v4 =	vand.u32 $0xFFFFFFC0, v38  }
0xcb: {  	v3 =	vor.u32 v3, v4  }
0xcc: {  	v4 =	vperm.xlane v3, v0;
	_ =	sdelay $0x1  }
0xcd: {  	v4 =	vadd.s32 v1, v4;
	_ =	sdelay $0x4  }
0xce: {  	[tilespmem:s9], [sflag:$0x1] =	stream.indirect_vreg.gather [hbm4b:s2+s3], $0x80, v4, vm0, $0xb8;
	[tilespmem:$0x1E200] =	vst v63  }
0xcf: {  	s24 =	simm.s32 $0xA00;
	v3 =	vperm.xlane v3, v2  }
0xd0: {  	[tilespmem:s24], [sflag:$0x1] =	stream.indirect_vreg.gather [hbm4b:s5+s3], $0x80, v4, vm0, $0xb8;
	[tilespmem:$0x1E200] =	vst v63  }
0xd1: {  	s23 =	simm.s32 $0x1200;
	v3 =	vadd.s32 v1, v3  }
0xd2: {  	[tilespmem:s23], [sflag:$0x1] =	stream.indirect_vreg.gather [hbm4b:s6+s3], $0x80, v4, vm0, $0xb8;
	[tilespmem:$0x1E200] =	vst v63  }
0xd3: {  	s23 =	simm.s32 $0x1A00  }
0xd4: {  	[tilespmem:s23], [sflag:$0x1] =	stream.indirect_vreg.gather [hbm4b:s7+s3], $0x80, v4, vm0, $0xb8;
	[tilespmem:$0x1E200] =	vst v63  }
0xd5: {  	s24 =	simm.s32 $0x2200  }
0xd6: {  	[tilespmem:s24], [sflag:$0x1] =	stream.indirect_vreg.gather [hbm4b:s2+s3], $0x80, v3, vm0, $0xb8;
	[tilespmem:$0x1E200] =	vst v63  }
0xd7: {  	s24 =	simm.s32 $0x2A00  }
0xd8: {  	[tilespmem:s24], [sflag:$0x1] =	stream.indirect_vreg.gather [hbm4b:s5+s3], $0x80, v3, vm0, $0xb8;
	[tilespmem:$0x1E200] =	vst v63  }
0xd9: {  	s24 =	simm.s32 $0x3200  }
0xda: {  	[tilespmem:s24], [sflag:$0x1] =	stream.indirect_vreg.gather [hbm4b:s6+s3], $0x80, v3, vm0, $0xb8;
	[tilespmem:$0x1E200] =	vst v63  }
0xdb: {  	s19 =	simm.s32 $0x3A00  }
0xdc: {  	[tilespmem:s19], [sflag:$0x1] =	stream.indirect_vreg.gather [hbm4b:s7+s3], $0x80, v3, vm0, $0xb8;
	[tilespmem:$0x1E200] =	vst v63  }
0xdd: {  	v3 =	vld [tilespmem:$0x88];
	_ =	sdelay $0x4  }
0xde: {  	v39 =	vshll.u32 v3, $0x3  }
0xdf: {  	v3 =	vand.u32 $0x7, v3;
	v4 =	vand.u32 $0xFFFFFFC0, v39  }
0xe0: {  	v3 =	vor.u32 v3, v4  }
0xe1: {  	v4 =	vperm.xlane v3, v0;
	_ =	sdelay $0x1  }
0xe2: {  	v4 =	vadd.s32 v1, v4;
	_ =	sdelay $0x3  }
0xe3: {  	s20 =	simm.s32 $0x4200  }
0xe4: {  	[tilespmem:s20], [sflag:$0x1] =	stream.indirect_vreg.gather [hbm4b:s2+s3], $0x80, v4, vm0, $0xb8;
	[tilespmem:$0x1E200] =	vst v63  }
0xe5: {  	s21 =	simm.s32 $0x4A00;
	v3 =	vperm.xlane v3, v2  }
0xe6: {  	[tilespmem:s21], [sflag:$0x1] =	stream.indirect_vreg.gather [hbm4b:s5+s3], $0x80, v4, vm0, $0xb8;
	[tilespmem:$0x1E200] =	vst v63  }
0xe7: {  	v3 =	vadd.s32 v1, v3;
	s21 =	simm.s32 $0x5200  }
0xe8: {  	[tilespmem:s21], [sflag:$0x1] =	stream.indirect_vreg.gather [hbm4b:s6+s3], $0x80, v4, vm0, $0xb8;
	[tilespmem:$0x1E200] =	vst v63  }
0xe9: {  	s21 =	simm.s32 $0x5A00  }
0xea: {  	[tilespmem:s21], [sflag:$0x1] =	stream.indirect_vreg.gather [hbm4b:s7+s3], $0x80, v4, vm0, $0xb8;
	[tilespmem:$0x1E200] =	vst v63  }
0xeb: {  	s16 =	simm.s32 $0x6200  }
0xec: {  	[tilespmem:s16], [sflag:$0x1] =	stream.indirect_vreg.gather [hbm4b:s2+s3], $0x80, v3, vm0, $0xb8;
	[tilespmem:$0x1E200] =	vst v63  }
0xed: {  	s17 =	simm.s32 $0x6A00  }
0xee: {  	[tilespmem:s17], [sflag:$0x1] =	stream.indirect_vreg.gather [hbm4b:s5+s3], $0x80, v3, vm0, $0xb8;
	[tilespmem:$0x1E200] =	vst v63  }
0xef: {  	s18 =	simm.s32 $0x7200  }
0xf0: {  	[tilespmem:s18], [sflag:$0x1] =	stream.indirect_vreg.gather [hbm4b:s6+s3], $0x80, v3, vm0, $0xb8;
	[tilespmem:$0x1E200] =	vst v63  }
0xf1: {  	s22 =	simm.s32 $0x7A00  }
0xf2: {  	[tilespmem:s22], [sflag:$0x1] =	stream.indirect_vreg.gather [hbm4b:s7+s3], $0x80, v3, vm0, $0xb8;
	[tilespmem:$0x1E200] =	vst v63  }
0xf3: {  	v3 =	vld [tilespmem:$0x98];
	_ =	sdelay $0x4  }
0xf4: {  	v40 =	vshll.u32 v3, $0x3  }
0xf5: {  	v3 =	vand.u32 $0x7, v3;
	v4 =	vand.u32 $0xFFFFFFC0, v40  }
0xf6: {  	v3 =	vor.u32 v3, v4  }
0xf7: {  	v4 =	vperm.xlane v3, v0;
	_ =	sdelay $0x1  }
0xf8: {  	v4 =	vadd.s32 v1, v4;
	_ =	sdelay $0x3  }
0xf9: {  	s10 =	simm.s32 $0x8200  }
0xfa: {  	[tilespmem:s10], [sflag:$0x1] =	stream.indirect_vreg.gather [hbm4b:s2+s3], $0x80, v4, vm0, $0xb8;
	[tilespmem:$0x1E200] =	vst v63  }
0xfb: {  	s11 =	simm.s32 $0x8A00;
	v3 =	vperm.xlane v3, v2  }
0xfc: {  	[tilespmem:s11], [sflag:$0x1] =	stream.indirect_vreg.gather [hbm4b:s5+s3], $0x80, v4, vm0, $0xb8;
	[tilespmem:$0x1E200] =	vst v63  }
0xfd: {  	s25 =	simm.s32 $0x9200;
	v3 =	vadd.s32 v1, v3  }
0xfe: {  	[tilespmem:s25], [sflag:$0x1] =	stream.indirect_vreg.gather [hbm4b:s6+s3], $0x80, v4, vm0, $0xb8;
	[tilespmem:$0x1E200] =	vst v63  }
0xff: {  	s26 =	simm.s32 $0x9A00  }
0x100: {  	[tilespmem:s26], [sflag:$0x1] =	stream.indirect_vreg.gather [hbm4b:s7+s3], $0x80, v4, vm0, $0xb8;
	[tilespmem:$0x1E200] =	vst v63  }
0x101: {  	s28 =	simm.s32 $0xA200  }
0x102: {  	[tilespmem:s28], [sflag:$0x1] =	stream.indirect_vreg.gather [hbm4b:s2+s3], $0x80, v3, vm0, $0xb8;
	[tilespmem:$0x1E200] =	vst v63  }
0x103: {  	s10 =	simm.s32 $0xAA00  }
0x104: {  	[tilespmem:s10], [sflag:$0x1] =	stream.indirect_vreg.gather [hbm4b:s5+s3], $0x80, v3, vm0, $0xb8;
	[tilespmem:$0x1E200] =	vst v63  }
0x105: {  	s11 =	simm.s32 $0xB200  }
0x106: {  	[tilespmem:s11], [sflag:$0x1] =	stream.indirect_vreg.gather [hbm4b:s6+s3], $0x80, v3, vm0, $0xb8;
	[tilespmem:$0x1E200] =	vst v63  }
0x107: {  	s12 =	simm.s32 $0xBA00  }
0x108: {  	[tilespmem:s12], [sflag:$0x1] =	stream.indirect_vreg.gather [hbm4b:s7+s3], $0x80, v3, vm0, $0xb8;
	[tilespmem:$0x1E200] =	vst v63  }
0x109: {  	v3 =	vld [tilespmem:$0xA8];
	_ =	sdelay $0x4  }
0x10a: {  	v41 =	vshll.u32 v3, $0x3  }
0x10b: {  	v3 =	vand.u32 $0x7, v3;
	v4 =	vand.u32 $0xFFFFFFC0, v41  }
0x10c: {  	v3 =	vor.u32 v3, v4  }
0x10d: {  	v4 =	vperm.xlane v3, v0;
	_ =	sdelay $0x1  }
0x10e: {  	v4 =	vadd.s32 v1, v4;
	_ =	sdelay $0x3  }
0x10f: {  	s13 =	simm.s32 $0xC200  }
0x110: {  	[tilespmem:s13], [sflag:$0x1] =	stream.indirect_vreg.gather [hbm4b:s2+s3], $0x80, v4, vm0, $0xb8;
	[tilespmem:$0x1E200] =	vst v63  }
0x111: {  	s14 =	simm.s32 $0xCA00;
	v3 =	vperm.xlane v3, v2  }
0x112: {  	[tilespmem:s14], [sflag:$0x1] =	stream.indirect_vreg.gather [hbm4b:s5+s3], $0x80, v4, vm0, $0xb8;
	[tilespmem:$0x1E200] =	vst v63  }
0x113: {  	v3 =	vadd.s32 v1, v3;
	s13 =	simm.s32 $0xD200  }
0x114: {  	[tilespmem:s13], [sflag:$0x1] =	stream.indirect_vreg.gather [hbm4b:s6+s3], $0x80, v4, vm0, $0xb8;
	[tilespmem:$0x1E200] =	vst v63  }
0x115: {  	s14 =	simm.s32 $0xDA00  }
0x116: {  	[tilespmem:s14], [sflag:$0x1] =	stream.indirect_vreg.gather [hbm4b:s7+s3], $0x80, v4, vm0, $0xb8;
	[tilespmem:$0x1E200] =	vst v63  }
0x117: {  	s22 =	simm.s32 $0xE200  }
0x118: {  	[tilespmem:s22], [sflag:$0x1] =	stream.indirect_vreg.gather [hbm4b:s2+s3], $0x80, v3, vm0, $0xb8;
	[tilespmem:$0x1E200] =	vst v63  }
0x119: {  	s25 =	simm.s32 $0xEA00  }
0x11a: {  	[tilespmem:s25], [sflag:$0x1] =	stream.indirect_vreg.gather [hbm4b:s5+s3], $0x80, v3, vm0, $0xb8;
	[tilespmem:$0x1E200] =	vst v63  }
0x11b: {  	s26 =	simm.s32 $0xF200  }
0x11c: {  	[tilespmem:s26], [sflag:$0x1] =	stream.indirect_vreg.gather [hbm4b:s6+s3], $0x80, v3, vm0, $0xb8;
	[tilespmem:$0x1E200] =	vst v63  }
0x11d: {  	s15 =	simm.s32 $0xFA00  }
0x11e: {  	[tilespmem:s15], [sflag:$0x1] =	stream.indirect_vreg.gather [hbm4b:s7+s3], $0x80, v3, vm0, $0xb8;
	[tilespmem:$0x1E200] =	vst v63  }
0x11f: {  	_ =	swait.ge [sflag:s31], $0xE000  }
0x120: {  	[sflag:s31] =	ssyncset.done $0x0  }
0x121: {  	s28 =	rddreg [dreg:$0x5];
	[sflag:s31] =	ssyncadd.s32 $0xFFFF2000  }
0x122: {  	[hbm4b:s28+s3] =	stream.linear.scatter [tilespmem:s4], [sflag:$0x4], $0xE000, $0x38;
	[tilespmem:$0x1E200] =	vst v63  }
0x123: {  	_ =	swait.ge [sflag:s0], $0xE000  }
0x124: {  	[sflag:s0] =	ssyncset.done $0x0  }
0x125: {  	[sflag:s0] =	ssyncadd.s32 $0xFFFF2000  }
0x126: {  	v3 =	vld [tilespmem:$0xB8];
	_ =	sdelay $0x4  }
0x127: {  	v42 =	vshll.u32 v3, $0x3  }
0x128: {  	v3 =	vand.u32 $0x7, v3;
	v4 =	vand.u32 $0xFFFFFFC0, v42  }
0x129: {  	v3 =	vor.u32 v3, v4  }
0x12a: {  	v4 =	vperm.xlane v3, v0;
	_ =	sdelay $0x1  }
0x12b: {  	v4 =	vadd.s32 v1, v4;
	_ =	sdelay $0x4  }
0x12c: {  	[tilespmem:s4], [sflag:$0x2] =	stream.indirect_vreg.gather [hbm4b:s2+s3], $0x80, v4, vm0, $0xb8;
	[tilespmem:$0x1E200] =	vst v63  }
0x12d: {  	s10 =	simm.s32 $0x10A00;
	v3 =	vperm.xlane v3, v2  }
0x12e: {  	[tilespmem:s10], [sflag:$0x2] =	stream.indirect_vreg.gather [hbm4b:s5+s3], $0x80, v4, vm0, $0xb8;
	[tilespmem:$0x1E200] =	vst v63  }
0x12f: {  	s11 =	simm.s32 $0x11200;
	v3 =	vadd.s32 v1, v3  }
0x130: {  	[tilespmem:s11], [sflag:$0x2] =	stream.indirect_vreg.gather [hbm4b:s6+s3], $0x80, v4, vm0, $0xb8;
	[tilespmem:$0x1E200] =	vst v63  }
0x131: {  	s12 =	simm.s32 $0x11A00  }
0x132: {  	[tilespmem:s12], [sflag:$0x2] =	stream.indirect_vreg.gather [hbm4b:s7+s3], $0x80, v4, vm0, $0xb8;
	[tilespmem:$0x1E200] =	vst v63  }
0x133: {  	s13 =	simm.s32 $0x12200  }
0x134: {  	[tilespmem:s13], [sflag:$0x2] =	stream.indirect_vreg.gather [hbm4b:s2+s3], $0x80, v3, vm0, $0xb8;
	[tilespmem:$0x1E200] =	vst v63  }
0x135: {  	s14 =	simm.s32 $0x12A00  }
0x136: {  	[tilespmem:s14], [sflag:$0x2] =	stream.indirect_vreg.gather [hbm4b:s5+s3], $0x80, v3, vm0, $0xb8;
	[tilespmem:$0x1E200] =	vst v63  }
0x137: {  	s15 =	simm.s32 $0x13200  }
0x138: {  	[tilespmem:s15], [sflag:$0x2] =	stream.indirect_vreg.gather [hbm4b:s6+s3], $0x80, v3, vm0, $0xb8;
	[tilespmem:$0x1E200] =	vst v63  }
0x139: {  	s25 =	simm.s32 $0x13A00  }
0x13a: {  	[tilespmem:s25], [sflag:$0x2] =	stream.indirect_vreg.gather [hbm4b:s7+s3], $0x80, v3, vm0, $0xb8;
	[tilespmem:$0x1E200] =	vst v63  }
0x13b: {  	v3 =	vld [tilespmem:$0xC8];
	_ =	sdelay $0x4  }
0x13c: {  	v43 =	vshll.u32 v3, $0x3  }
0x13d: {  	v3 =	vand.u32 $0x7, v3;
	v4 =	vand.u32 $0xFFFFFFC0, v43  }
0x13e: {  	v3 =	vor.u32 v3, v4  }
0x13f: {  	v4 =	vperm.xlane v3, v0;
	_ =	sdelay $0x1  }
0x140: {  	v4 =	vadd.s32 v1, v4;
	_ =	sdelay $0x3  }
0x141: {  	s26 =	simm.s32 $0x14200  }
0x142: {  	[tilespmem:s26], [sflag:$0x2] =	stream.indirect_vreg.gather [hbm4b:s2+s3], $0x80, v4, vm0, $0xb8;
	[tilespmem:$0x1E200] =	vst v63  }
0x143: {  	s28 =	simm.s32 $0x14A00;
	v3 =	vperm.xlane v3, v2  }
0x144: {  	[tilespmem:s28], [sflag:$0x2] =	stream.indirect_vreg.gather [hbm4b:s5+s3], $0x80, v4, vm0, $0xb8;
	[tilespmem:$0x1E200] =	vst v63  }
0x145: {  	s10 =	simm.s32 $0x15200;
	v3 =	vadd.s32 v1, v3  }
0x146: {  	[tilespmem:s10], [sflag:$0x2] =	stream.indirect_vreg.gather [hbm4b:s6+s3], $0x80, v4, vm0, $0xb8;
	[tilespmem:$0x1E200] =	vst v63  }
0x147: {  	s11 =	simm.s32 $0x15A00  }
0x148: {  	[tilespmem:s11], [sflag:$0x2] =	stream.indirect_vreg.gather [hbm4b:s7+s3], $0x80, v4, vm0, $0xb8;
	[tilespmem:$0x1E200] =	vst v63  }
0x149: {  	s12 =	simm.s32 $0x16200  }
0x14a: {  	[tilespmem:s12], [sflag:$0x2] =	stream.indirect_vreg.gather [hbm4b:s2+s3], $0x80, v3, vm0, $0xb8;
	[tilespmem:$0x1E200] =	vst v63  }
0x14b: {  	s13 =	simm.s32 $0x16A00  }
0x14c: {  	[tilespmem:s13], [sflag:$0x2] =	stream.indirect_vreg.gather [hbm4b:s5+s3], $0x80, v3, vm0, $0xb8;
	[tilespmem:$0x1E200] =	vst v63  }
0x14d: {  	s14 =	simm.s32 $0x17200  }
0x14e: {  	[tilespmem:s14], [sflag:$0x2] =	stream.indirect_vreg.gather [hbm4b:s6+s3], $0x80, v3, vm0, $0xb8;
	[tilespmem:$0x1E200] =	vst v63  }
0x14f: {  	s15 =	simm.s32 $0x17A00  }
0x150: {  	[tilespmem:s15], [sflag:$0x2] =	stream.indirect_vreg.gather [hbm4b:s7+s3], $0x80, v3, vm0, $0xb8;
	[tilespmem:$0x1E200] =	vst v63  }
0x151: {  	v3 =	vld [tilespmem:$0xD8];
	_ =	sdelay $0x4  }
0x152: {  	v44 =	vshll.u32 v3, $0x3  }
0x153: {  	v3 =	vand.u32 $0x7, v3;
	v4 =	vand.u32 $0xFFFFFFC0, v44  }
0x154: {  	v3 =	vor.u32 v3, v4  }
0x155: {  	v4 =	vperm.xlane v3, v0;
	_ =	sdelay $0x1  }
0x156: {  	v4 =	vadd.s32 v1, v4;
	_ =	sdelay $0x3  }
0x157: {  	s25 =	simm.s32 $0x18200  }
0x158: {  	[tilespmem:s25], [sflag:$0x2] =	stream.indirect_vreg.gather [hbm4b:s2+s3], $0x80, v4, vm0, $0xb8;
	[tilespmem:$0x1E200] =	vst v63  }
0x159: {  	s26 =	simm.s32 $0x18A00;
	v3 =	vperm.xlane v3, v2  }
0x15a: {  	[tilespmem:s26], [sflag:$0x2] =	stream.indirect_vreg.gather [hbm4b:s5+s3], $0x80, v4, vm0, $0xb8;
	[tilespmem:$0x1E200] =	vst v63  }
0x15b: {  	s28 =	simm.s32 $0x19200;
	v3 =	vadd.s32 v1, v3  }
0x15c: {  	[tilespmem:s28], [sflag:$0x2] =	stream.indirect_vreg.gather [hbm4b:s6+s3], $0x80, v4, vm0, $0xb8;
	[tilespmem:$0x1E200] =	vst v63  }
0x15d: {  	s10 =	simm.s32 $0x19A00  }
0x15e: {  	[tilespmem:s10], [sflag:$0x2] =	stream.indirect_vreg.gather [hbm4b:s7+s3], $0x80, v4, vm0, $0xb8;
	[tilespmem:$0x1E200] =	vst v63  }
0x15f: {  	s11 =	simm.s32 $0x1A200  }
0x160: {  	[tilespmem:s11], [sflag:$0x2] =	stream.indirect_vreg.gather [hbm4b:s2+s3], $0x80, v3, vm0, $0xb8;
	[tilespmem:$0x1E200] =	vst v63  }
0x161: {  	s12 =	simm.s32 $0x1AA00  }
0x162: {  	[tilespmem:s12], [sflag:$0x2] =	stream.indirect_vreg.gather [hbm4b:s5+s3], $0x80, v3, vm0, $0xb8;
	[tilespmem:$0x1E200] =	vst v63  }
0x163: {  	s13 =	simm.s32 $0x1B200  }
0x164: {  	[tilespmem:s13], [sflag:$0x2] =	stream.indirect_vreg.gather [hbm4b:s6+s3], $0x80, v3, vm0, $0xb8;
	[tilespmem:$0x1E200] =	vst v63  }
0x165: {  	s14 =	simm.s32 $0x1BA00  }
0x166: {  	[tilespmem:s14], [sflag:$0x2] =	stream.indirect_vreg.gather [hbm4b:s7+s3], $0x80, v3, vm0, $0xb8;
	[tilespmem:$0x1E200] =	vst v63  }
0x167: {  	v3 =	vld.msk [tilespmem:$0xE8], $0xff;
	_ =	sdelay $0x4  }
0x168: {  	v45 =	vshll.u32 v3, $0x3  }
0x169: {  	v3 =	vand.u32 $0x7, v3;
	v4 =	vand.u32 $0xFFFFFFC0, v45  }
0x16a: {  	v3 =	vor.u32 v3, v4  }
0x16b: {  	v3 =	vperm.xlane v3, v0;
	_ =	sdelay $0x1  }
0x16c: {  	v3 =	vadd.s32 v1, v3;
	_ =	sdelay $0x3  }
0x16d: {  	s15 =	simm.s32 $0x1C200  }
0x16e: {  	[tilespmem:s15], [sflag:$0x2] =	stream.indirect_vreg.gather [hbm4b:s2+s3], $0x80, v3, vm0, $0xb8;
	[tilespmem:$0x1E200] =	vst v63  }
0x16f: {  	s25 =	simm.s32 $0x1CA00  }
0x170: {  	[tilespmem:s25], [sflag:$0x2] =	stream.indirect_vreg.gather [hbm4b:s5+s3], $0x80, v3, vm0, $0xb8;
	[tilespmem:$0x1E200] =	vst v63  }
0x171: {  	s26 =	simm.s32 $0x1D200  }
0x172: {  	[tilespmem:s26], [sflag:$0x2] =	stream.indirect_vreg.gather [hbm4b:s6+s3], $0x80, v3, vm0, $0xb8;
	[tilespmem:$0x1E200] =	vst v63  }
0x173: {  	s28 =	simm.s32 $0x1DA00  }
0x174: {  	[tilespmem:s28], [sflag:$0x2] =	stream.indirect_vreg.gather [hbm4b:s7+s3], $0x80, v3, vm0, $0xb8;
	[tilespmem:$0x1E200] =	vst v63  }
0x175: {  	_ =	swait.ge [sflag:s29], $0x10000  }
0x176: {  	[sflag:s29] =	ssyncset.done $0x0  }
0x177: {  	s10 =	rddreg [dreg:$0x6];
	[sflag:s29] =	ssyncadd.s32 $0xFFFF0000  }
0x178: {  	[hbm4b:s10+s3] =	stream.linear.scatter [tilespmem:s9], [sflag:$0x3], $0x10000, $0x38;
	[tilespmem:$0x1E200] =	vst v63  }
0x179: {  	_ =	swait.ge [sflag:s30], $0x10000  }
0x17a: {  	[sflag:s30] =	ssyncset.done $0x0  }
0x17b: {  	[sflag:s30] =	ssyncadd.s32 $0xFFFF0000  }
0x17c: {  	v3 =	vld [tilespmem:$0xF0];
	_ =	sdelay $0x4  }
0x17d: {  	v46 =	vshll.u32 v3, $0x3  }
0x17e: {  	v3 =	vand.u32 $0x7, v3;
	v4 =	vand.u32 $0xFFFFFFC0, v46  }
0x17f: {  	v3 =	vor.u32 v3, v4  }
0x180: {  	v4 =	vperm.xlane v3, v0;
	_ =	sdelay $0x1  }
0x181: {  	v4 =	vadd.s32 v1, v4;
	_ =	sdelay $0x4  }
0x182: {  	[tilespmem:s9], [sflag:$0x1] =	stream.indirect_vreg.gather [hbm4b:s2+s3], $0x80, v4, vm0, $0xb8;
	[tilespmem:$0x1E200] =	vst v63  }
0x183: {  	s11 =	simm.s32 $0xA00;
	v3 =	vperm.xlane v3, v2  }
0x184: {  	[tilespmem:s11], [sflag:$0x1] =	stream.indirect_vreg.gather [hbm4b:s5+s3], $0x80, v4, vm0, $0xb8;
	[tilespmem:$0x1E200] =	vst v63  }
0x185: {  	s12 =	simm.s32 $0x1200;
	v3 =	vadd.s32 v1, v3  }
0x186: {  	[tilespmem:s12], [sflag:$0x1] =	stream.indirect_vreg.gather [hbm4b:s6+s3], $0x80, v4, vm0, $0xb8;
	[tilespmem:$0x1E200] =	vst v63  }
0x187: {  	s23 =	simm.s32 $0x1A00  }
0x188: {  	[tilespmem:s23], [sflag:$0x1] =	stream.indirect_vreg.gather [hbm4b:s7+s3], $0x80, v4, vm0, $0xb8;
	[tilespmem:$0x1E200] =	vst v63  }
0x189: {  	s13 =	simm.s32 $0x2200  }
0x18a: {  	[tilespmem:s13], [sflag:$0x1] =	stream.indirect_vreg.gather [hbm4b:s2+s3], $0x80, v3, vm0, $0xb8;
	[tilespmem:$0x1E200] =	vst v63  }
0x18b: {  	s14 =	simm.s32 $0x2A00  }
0x18c: {  	[tilespmem:s14], [sflag:$0x1] =	stream.indirect_vreg.gather [hbm4b:s5+s3], $0x80, v3, vm0, $0xb8;
	[tilespmem:$0x1E200] =	vst v63  }
0x18d: {  	s15 =	simm.s32 $0x3200  }
0x18e: {  	[tilespmem:s15], [sflag:$0x1] =	stream.indirect_vreg.gather [hbm4b:s6+s3], $0x80, v3, vm0, $0xb8;
	[tilespmem:$0x1E200] =	vst v63  }
0x18f: {  	s24 =	simm.s32 $0x3A00  }
0x190: {  	[tilespmem:s24], [sflag:$0x1] =	stream.indirect_vreg.gather [hbm4b:s7+s3], $0x80, v3, vm0, $0xb8;
	[tilespmem:$0x1E200] =	vst v63  }
0x191: {  	v3 =	vld [tilespmem:$0x100];
	_ =	sdelay $0x4  }
0x192: {  	v47 =	vshll.u32 v3, $0x3  }
0x193: {  	v3 =	vand.u32 $0x7, v3;
	v4 =	vand.u32 $0xFFFFFFC0, v47  }
0x194: {  	v3 =	vor.u32 v3, v4  }
0x195: {  	v4 =	vperm.xlane v3, v0;
	_ =	sdelay $0x1  }
0x196: {  	v4 =	vadd.s32 v1, v4;
	_ =	sdelay $0x3  }
0x197: {  	s19 =	simm.s32 $0x4200  }
0x198: {  	[tilespmem:s19], [sflag:$0x1] =	stream.indirect_vreg.gather [hbm4b:s2+s3], $0x80, v4, vm0, $0xb8;
	[tilespmem:$0x1E200] =	vst v63  }
0x199: {  	s20 =	simm.s32 $0x4A00;
	v3 =	vperm.xlane v3, v2  }
0x19a: {  	[tilespmem:s20], [sflag:$0x1] =	stream.indirect_vreg.gather [hbm4b:s5+s3], $0x80, v4, vm0, $0xb8;
	[tilespmem:$0x1E200] =	vst v63  }
0x19b: {  	v3 =	vadd.s32 v1, v3;
	s19 =	simm.s32 $0x5200  }
0x19c: {  	[tilespmem:s19], [sflag:$0x1] =	stream.indirect_vreg.gather [hbm4b:s6+s3], $0x80, v4, vm0, $0xb8;
	[tilespmem:$0x1E200] =	vst v63  }
0x19d: {  	s20 =	simm.s32 $0x5A00  }
0x19e: {  	[tilespmem:s20], [sflag:$0x1] =	stream.indirect_vreg.gather [hbm4b:s7+s3], $0x80, v4, vm0, $0xb8;
	[tilespmem:$0x1E200] =	vst v63  }
0x19f: {  	s16 =	simm.s32 $0x6200  }
0x1a0: {  	[tilespmem:s16], [sflag:$0x1] =	stream.indirect_vreg.gather [hbm4b:s2+s3], $0x80, v3, vm0, $0xb8;
	[tilespmem:$0x1E200] =	vst v63  }
0x1a1: {  	s17 =	simm.s32 $0x6A00  }
0x1a2: {  	[tilespmem:s17], [sflag:$0x1] =	stream.indirect_vreg.gather [hbm4b:s5+s3], $0x80, v3, vm0, $0xb8;
	[tilespmem:$0x1E200] =	vst v63  }
0x1a3: {  	s18 =	simm.s32 $0x7200  }
0x1a4: {  	[tilespmem:s18], [sflag:$0x1] =	stream.indirect_vreg.gather [hbm4b:s6+s3], $0x80, v3, vm0, $0xb8;
	[tilespmem:$0x1E200] =	vst v63  }
0x1a5: {  	s21 =	simm.s32 $0x7A00  }
0x1a6: {  	[tilespmem:s21], [sflag:$0x1] =	stream.indirect_vreg.gather [hbm4b:s7+s3], $0x80, v3, vm0, $0xb8;
	[tilespmem:$0x1E200] =	vst v63  }
0x1a7: {  	v3 =	vld [tilespmem:$0x110];
	_ =	sdelay $0x4  }
0x1a8: {  	v48 =	vshll.u32 v3, $0x3  }
0x1a9: {  	v3 =	vand.u32 $0x7, v3;
	v4 =	vand.u32 $0xFFFFFFC0, v48  }
0x1aa: {  	v3 =	vor.u32 v3, v4  }
0x1ab: {  	v4 =	vperm.xlane v3, v0;
	_ =	sdelay $0x1  }
0x1ac: {  	v4 =	vadd.s32 v1, v4;
	_ =	sdelay $0x3  }
0x1ad: {  	s21 =	simm.s32 $0x8200  }
0x1ae: {  	[tilespmem:s21], [sflag:$0x1] =	stream.indirect_vreg.gather [hbm4b:s2+s3], $0x80, v4, vm0, $0xb8;
	[tilespmem:$0x1E200] =	vst v63  }
0x1af: {  	s19 =	simm.s32 $0x8A00;
	v3 =	vperm.xlane v3, v2  }
0x1b0: {  	[tilespmem:s19], [sflag:$0x1] =	stream.indirect_vreg.gather [hbm4b:s5+s3], $0x80, v4, vm0, $0xb8;
	[tilespmem:$0x1E200] =	vst v63  }
0x1b1: {  	s20 =	simm.s32 $0x9200;
	v3 =	vadd.s32 v1, v3  }
0x1b2: {  	[tilespmem:s20], [sflag:$0x1] =	stream.indirect_vreg.gather [hbm4b:s6+s3], $0x80, v4, vm0, $0xb8;
	[tilespmem:$0x1E200] =	vst v63  }
0x1b3: {  	s21 =	simm.s32 $0x9A00  }
0x1b4: {  	[tilespmem:s21], [sflag:$0x1] =	stream.indirect_vreg.gather [hbm4b:s7+s3], $0x80, v4, vm0, $0xb8;
	[tilespmem:$0x1E200] =	vst v63  }
0x1b5: {  	s19 =	simm.s32 $0xA200  }
0x1b6: {  	[tilespmem:s19], [sflag:$0x1] =	stream.indirect_vreg.gather [hbm4b:s2+s3], $0x80, v3, vm0, $0xb8;
	[tilespmem:$0x1E200] =	vst v63  }
0x1b7: {  	s20 =	simm.s32 $0xAA00  }
0x1b8: {  	[tilespmem:s20], [sflag:$0x1] =	stream.indirect_vreg.gather [hbm4b:s5+s3], $0x80, v3, vm0, $0xb8;
	[tilespmem:$0x1E200] =	vst v63  }
0x1b9: {  	s21 =	simm.s32 $0xB200  }
0x1ba: {  	[tilespmem:s21], [sflag:$0x1] =	stream.indirect_vreg.gather [hbm4b:s6+s3], $0x80, v3, vm0, $0xb8;
	[tilespmem:$0x1E200] =	vst v63  }
0x1bb: {  	s19 =	simm.s32 $0xBA00  }
0x1bc: {  	[tilespmem:s19], [sflag:$0x1] =	stream.indirect_vreg.gather [hbm4b:s7+s3], $0x80, v3, vm0, $0xb8;
	[tilespmem:$0x1E200] =	vst v63  }
0x1bd: {  	v3 =	vld [tilespmem:$0x120];
	_ =	sdelay $0x4  }
0x1be: {  	v49 =	vshll.u32 v3, $0x3  }
0x1bf: {  	v3 =	vand.u32 $0x7, v3;
	v4 =	vand.u32 $0xFFFFFFC0, v49  }
0x1c0: {  	v3 =	vor.u32 v3, v4  }
0x1c1: {  	v4 =	vperm.xlane v3, v0;
	_ =	sdelay $0x1  }
0x1c2: {  	v4 =	vadd.s32 v1, v4;
	_ =	sdelay $0x3  }
0x1c3: {  	s20 =	simm.s32 $0xC200  }
0x1c4: {  	[tilespmem:s20], [sflag:$0x1] =	stream.indirect_vreg.gather [hbm4b:s2+s3], $0x80, v4, vm0, $0xb8;
	[tilespmem:$0x1E200] =	vst v63  }
0x1c5: {  	s21 =	simm.s32 $0xCA00;
	v3 =	vperm.xlane v3, v2  }
0x1c6: {  	[tilespmem:s21], [sflag:$0x1] =	stream.indirect_vreg.gather [hbm4b:s5+s3], $0x80, v4, vm0, $0xb8;
	[tilespmem:$0x1E200] =	vst v63  }
0x1c7: {  	s19 =	simm.s32 $0xD200;
	v3 =	vadd.s32 v1, v3  }
0x1c8: {  	[tilespmem:s19], [sflag:$0x1] =	stream.indirect_vreg.gather [hbm4b:s6+s3], $0x80, v4, vm0, $0xb8;
	[tilespmem:$0x1E200] =	vst v63  }
0x1c9: {  	s20 =	simm.s32 $0xDA00  }
0x1ca: {  	[tilespmem:s20], [sflag:$0x1] =	stream.indirect_vreg.gather [hbm4b:s7+s3], $0x80, v4, vm0, $0xb8;
	[tilespmem:$0x1E200] =	vst v63  }
0x1cb: {  	s21 =	simm.s32 $0xE200  }
0x1cc: {  	[tilespmem:s21], [sflag:$0x1] =	stream.indirect_vreg.gather [hbm4b:s2+s3], $0x80, v3, vm0, $0xb8;
	[tilespmem:$0x1E200] =	vst v63  }
0x1cd: {  	s19 =	simm.s32 $0xEA00  }
0x1ce: {  	[tilespmem:s19], [sflag:$0x1] =	stream.indirect_vreg.gather [hbm4b:s5+s3], $0x80, v3, vm0, $0xb8;
	[tilespmem:$0x1E200] =	vst v63  }
0x1cf: {  	s20 =	simm.s32 $0xF200  }
0x1d0: {  	[tilespmem:s20], [sflag:$0x1] =	stream.indirect_vreg.gather [hbm4b:s6+s3], $0x80, v3, vm0, $0xb8;
	[tilespmem:$0x1E200] =	vst v63  }
0x1d1: {  	s21 =	simm.s32 $0xFA00  }
0x1d2: {  	[tilespmem:s21], [sflag:$0x1] =	stream.indirect_vreg.gather [hbm4b:s7+s3], $0x80, v3, vm0, $0xb8;
	[tilespmem:$0x1E200] =	vst v63  }
0x1d3: {  	_ =	swait.ge [sflag:s31], $0xE000  }
0x1d4: {  	[sflag:s31] =	ssyncset.done $0x0  }
0x1d5: {  	s19 =	rddreg [dreg:$0x7];
	[sflag:s31] =	ssyncadd.s32 $0xFFFF2000  }
0x1d6: {  	[hbm4b:s19+s3] =	stream.linear.scatter [tilespmem:s4], [sflag:$0x4], $0xE000, $0x38;
	[tilespmem:$0x1E200] =	vst v63  }
0x1d7: {  	_ =	swait.ge [sflag:s0], $0xE000  }
0x1d8: {  	[sflag:s0] =	ssyncset.done $0x0  }
0x1d9: {  	[sflag:s0] =	ssyncadd.s32 $0xFFFF2000  }
0x1da: {  	v3 =	vld [tilespmem:$0x130];
	_ =	sdelay $0x4  }
0x1db: {  	v50 =	vshll.u32 v3, $0x3  }
0x1dc: {  	v3 =	vand.u32 $0x7, v3;
	v4 =	vand.u32 $0xFFFFFFC0, v50  }
0x1dd: {  	v3 =	vor.u32 v3, v4  }
0x1de: {  	v4 =	vperm.xlane v3, v0;
	_ =	sdelay $0x1  }
0x1df: {  	v4 =	vadd.s32 v1, v4;
	_ =	sdelay $0x4  }
0x1e0: {  	[tilespmem:s4], [sflag:$0x2] =	stream.indirect_vreg.gather [hbm4b:s2+s3], $0x80, v4, vm0, $0xb8;
	[tilespmem:$0x1E200] =	vst v63  }
0x1e1: {  	s20 =	simm.s32 $0x10A00;
	v3 =	vperm.xlane v3, v2  }
0x1e2: {  	[tilespmem:s20], [sflag:$0x2] =	stream.indirect_vreg.gather [hbm4b:s5+s3], $0x80, v4, vm0, $0xb8;
	[tilespmem:$0x1E200] =	vst v63  }
0x1e3: {  	s22 =	simm.s32 $0x11200;
	v3 =	vadd.s32 v1, v3  }
0x1e4: {  	[tilespmem:s22], [sflag:$0x2] =	stream.indirect_vreg.gather [hbm4b:s6+s3], $0x80, v4, vm0, $0xb8;
	[tilespmem:$0x1E200] =	vst v63  }
0x1e5: {  	s21 =	simm.s32 $0x11A00  }
0x1e6: {  	[tilespmem:s21], [sflag:$0x2] =	stream.indirect_vreg.gather [hbm4b:s7+s3], $0x80, v4, vm0, $0xb8;
	[tilespmem:$0x1E200] =	vst v63  }
0x1e7: {  	s22 =	simm.s32 $0x12200  }
0x1e8: {  	[tilespmem:s22], [sflag:$0x2] =	stream.indirect_vreg.gather [hbm4b:s2+s3], $0x80, v3, vm0, $0xb8;
	[tilespmem:$0x1E200] =	vst v63  }
0x1e9: {  	s20 =	simm.s32 $0x12A00  }
0x1ea: {  	[tilespmem:s20], [sflag:$0x2] =	stream.indirect_vreg.gather [hbm4b:s5+s3], $0x80, v3, vm0, $0xb8;
	[tilespmem:$0x1E200] =	vst v63  }
0x1eb: {  	s21 =	simm.s32 $0x13200  }
0x1ec: {  	[tilespmem:s21], [sflag:$0x2] =	stream.indirect_vreg.gather [hbm4b:s6+s3], $0x80, v3, vm0, $0xb8;
	[tilespmem:$0x1E200] =	vst v63  }
0x1ed: {  	s22 =	simm.s32 $0x13A00  }
0x1ee: {  	[tilespmem:s22], [sflag:$0x2] =	stream.indirect_vreg.gather [hbm4b:s7+s3], $0x80, v3, vm0, $0xb8;
	[tilespmem:$0x1E200] =	vst v63  }
0x1ef: {  	v3 =	vld [tilespmem:$0x140];
	_ =	sdelay $0x4  }
0x1f0: {  	v51 =	vshll.u32 v3, $0x3  }
0x1f1: {  	v3 =	vand.u32 $0x7, v3;
	v4 =	vand.u32 $0xFFFFFFC0, v51  }
0x1f2: {  	v3 =	vor.u32 v3, v4  }
0x1f3: {  	v4 =	vperm.xlane v3, v0;
	_ =	sdelay $0x1  }
0x1f4: {  	v4 =	vadd.s32 v1, v4;
	_ =	sdelay $0x3  }
0x1f5: {  	s20 =	simm.s32 $0x14200  }
0x1f6: {  	[tilespmem:s20], [sflag:$0x2] =	stream.indirect_vreg.gather [hbm4b:s2+s3], $0x80, v4, vm0, $0xb8;
	[tilespmem:$0x1E200] =	vst v63  }
0x1f7: {  	s21 =	simm.s32 $0x14A00;
	v3 =	vperm.xlane v3, v2  }
0x1f8: {  	[tilespmem:s21], [sflag:$0x2] =	stream.indirect_vreg.gather [hbm4b:s5+s3], $0x80, v4, vm0, $0xb8;
	[tilespmem:$0x1E200] =	vst v63  }
0x1f9: {  	s22 =	simm.s32 $0x15200;
	v3 =	vadd.s32 v1, v3  }
0x1fa: {  	[tilespmem:s22], [sflag:$0x2] =	stream.indirect_vreg.gather [hbm4b:s6+s3], $0x80, v4, vm0, $0xb8;
	[tilespmem:$0x1E200] =	vst v63  }
0x1fb: {  	s20 =	simm.s32 $0x15A00  }
0x1fc: {  	[tilespmem:s20], [sflag:$0x2] =	stream.indirect_vreg.gather [hbm4b:s7+s3], $0x80, v4, vm0, $0xb8;
	[tilespmem:$0x1E200] =	vst v63  }
0x1fd: {  	s21 =	simm.s32 $0x16200  }
0x1fe: {  	[tilespmem:s21], [sflag:$0x2] =	stream.indirect_vreg.gather [hbm4b:s2+s3], $0x80, v3, vm0, $0xb8;
	[tilespmem:$0x1E200] =	vst v63  }
0x1ff: {  	s22 =	simm.s32 $0x16A00  }
0x200: {  	[tilespmem:s22], [sflag:$0x2] =	stream.indirect_vreg.gather [hbm4b:s5+s3], $0x80, v3, vm0, $0xb8;
	[tilespmem:$0x1E200] =	vst v63  }
0x201: {  	s20 =	simm.s32 $0x17200  }
0x202: {  	[tilespmem:s20], [sflag:$0x2] =	stream.indirect_vreg.gather [hbm4b:s6+s3], $0x80, v3, vm0, $0xb8;
	[tilespmem:$0x1E200] =	vst v63  }
0x203: {  	s21 =	simm.s32 $0x17A00  }
0x204: {  	[tilespmem:s21], [sflag:$0x2] =	stream.indirect_vreg.gather [hbm4b:s7+s3], $0x80, v3, vm0, $0xb8;
	[tilespmem:$0x1E200] =	vst v63  }
0x205: {  	v3 =	vld [tilespmem:$0x150];
	_ =	sdelay $0x4  }
0x206: {  	v52 =	vshll.u32 v3, $0x3  }
0x207: {  	v3 =	vand.u32 $0x7, v3;
	v4 =	vand.u32 $0xFFFFFFC0, v52  }
0x208: {  	v3 =	vor.u32 v3, v4  }
0x209: {  	v4 =	vperm.xlane v3, v0;
	_ =	sdelay $0x1  }
0x20a: {  	v4 =	vadd.s32 v1, v4;
	_ =	sdelay $0x3  }
0x20b: {  	s22 =	simm.s32 $0x18200  }
0x20c: {  	[tilespmem:s22], [sflag:$0x2] =	stream.indirect_vreg.gather [hbm4b:s2+s3], $0x80, v4, vm0, $0xb8;
	[tilespmem:$0x1E200] =	vst v63  }
0x20d: {  	s20 =	simm.s32 $0x18A00;
	v3 =	vperm.xlane v3, v2  }
0x20e: {  	[tilespmem:s20], [sflag:$0x2] =	stream.indirect_vreg.gather [hbm4b:s5+s3], $0x80, v4, vm0, $0xb8;
	[tilespmem:$0x1E200] =	vst v63  }
0x20f: {  	s21 =	simm.s32 $0x19200;
	v3 =	vadd.s32 v1, v3  }
0x210: {  	[tilespmem:s21], [sflag:$0x2] =	stream.indirect_vreg.gather [hbm4b:s6+s3], $0x80, v4, vm0, $0xb8;
	[tilespmem:$0x1E200] =	vst v63  }
0x211: {  	s22 =	simm.s32 $0x19A00  }
0x212: {  	[tilespmem:s22], [sflag:$0x2] =	stream.indirect_vreg.gather [hbm4b:s7+s3], $0x80, v4, vm0, $0xb8;
	[tilespmem:$0x1E200] =	vst v63  }
0x213: {  	s20 =	simm.s32 $0x1A200  }
0x214: {  	[tilespmem:s20], [sflag:$0x2] =	stream.indirect_vreg.gather [hbm4b:s2+s3], $0x80, v3, vm0, $0xb8;
	[tilespmem:$0x1E200] =	vst v63  }
0x215: {  	s21 =	simm.s32 $0x1AA00  }
0x216: {  	[tilespmem:s21], [sflag:$0x2] =	stream.indirect_vreg.gather [hbm4b:s5+s3], $0x80, v3, vm0, $0xb8;
	[tilespmem:$0x1E200] =	vst v63  }
0x217: {  	s22 =	simm.s32 $0x1B200  }
0x218: {  	[tilespmem:s22], [sflag:$0x2] =	stream.indirect_vreg.gather [hbm4b:s6+s3], $0x80, v3, vm0, $0xb8;
	[tilespmem:$0x1E200] =	vst v63  }
0x219: {  	s20 =	simm.s32 $0x1BA00  }
0x21a: {  	[tilespmem:s20], [sflag:$0x2] =	stream.indirect_vreg.gather [hbm4b:s7+s3], $0x80, v3, vm0, $0xb8;
	[tilespmem:$0x1E200] =	vst v63  }
0x21b: {  	v3 =	vld.msk [tilespmem:$0x160], $0xff;
	_ =	sdelay $0x4  }
0x21c: {  	v53 =	vshll.u32 v3, $0x3  }
0x21d: {  	v3 =	vand.u32 $0x7, v3;
	v4 =	vand.u32 $0xFFFFFFC0, v53  }
0x21e: {  	v3 =	vor.u32 v3, v4  }
0x21f: {  	v3 =	vperm.xlane v3, v0;
	_ =	sdelay $0x1  }
0x220: {  	v3 =	vadd.s32 v1, v3;
	_ =	sdelay $0x3  }
0x221: {  	s21 =	simm.s32 $0x1C200  }
0x222: {  	[tilespmem:s21], [sflag:$0x2] =	stream.indirect_vreg.gather [hbm4b:s2+s3], $0x80, v3, vm0, $0xb8;
	[tilespmem:$0x1E200] =	vst v63  }
0x223: {  	s22 =	simm.s32 $0x1CA00  }
0x224: {  	[tilespmem:s22], [sflag:$0x2] =	stream.indirect_vreg.gather [hbm4b:s5+s3], $0x80, v3, vm0, $0xb8;
	[tilespmem:$0x1E200] =	vst v63  }
0x225: {  	s20 =	simm.s32 $0x1D200  }
0x226: {  	[tilespmem:s20], [sflag:$0x2] =	stream.indirect_vreg.gather [hbm4b:s6+s3], $0x80, v3, vm0, $0xb8;
	[tilespmem:$0x1E200] =	vst v63  }
0x227: {  	s21 =	simm.s32 $0x1DA00  }
0x228: {  	[tilespmem:s21], [sflag:$0x2] =	stream.indirect_vreg.gather [hbm4b:s7+s3], $0x80, v3, vm0, $0xb8;
	[tilespmem:$0x1E200] =	vst v63  }
0x229: {  	_ =	swait.ge [sflag:s29], $0x10000  }
0x22a: {  	[sflag:s29] =	ssyncset.done $0x0  }
0x22b: {  	s22 =	rddreg [dreg:$0x8];
	[sflag:s29] =	ssyncadd.s32 $0xFFFF0000  }
0x22c: {  	[hbm4b:s22+s3] =	stream.linear.scatter [tilespmem:s9], [sflag:$0x3], $0x10000, $0x38;
	[tilespmem:$0x1E200] =	vst v63  }
0x22d: {  	_ =	swait.ge [sflag:s30], $0x10000  }
0x22e: {  	[sflag:s30] =	ssyncset.done $0x0  }
0x22f: {  	[sflag:s30] =	ssyncadd.s32 $0xFFFF0000  }
0x230: {  	v3 =	vld [tilespmem:$0x168];
	_ =	sdelay $0x4  }
0x231: {  	v54 =	vshll.u32 v3, $0x3  }
0x232: {  	v3 =	vand.u32 $0x7, v3;
	v4 =	vand.u32 $0xFFFFFFC0, v54  }
0x233: {  	v3 =	vor.u32 v3, v4  }
0x234: {  	v4 =	vperm.xlane v3, v0;
	_ =	sdelay $0x1  }
0x235: {  	v4 =	vadd.s32 v1, v4;
	_ =	sdelay $0x4  }
0x236: {  	[tilespmem:s9], [sflag:$0x1] =	stream.indirect_vreg.gather [hbm4b:s2+s3], $0x80, v4, vm0, $0xb8;
	[tilespmem:$0x1E200] =	vst v63  }
0x237: {  	s25 =	simm.s32 $0xA00;
	v3 =	vperm.xlane v3, v2  }
0x238: {  	[tilespmem:s25], [sflag:$0x1] =	stream.indirect_vreg.gather [hbm4b:s5+s3], $0x80, v4, vm0, $0xb8;
	[tilespmem:$0x1E200] =	vst v63  }
0x239: {  	s10 =	simm.s32 $0x1200;
	v3 =	vadd.s32 v1, v3  }
0x23a: {  	[tilespmem:s10], [sflag:$0x1] =	stream.indirect_vreg.gather [hbm4b:s6+s3], $0x80, v4, vm0, $0xb8;
	[tilespmem:$0x1E200] =	vst v63  }
0x23b: {  	s25 =	simm.s32 $0x1A00  }
0x23c: {  	[tilespmem:s25], [sflag:$0x1] =	stream.indirect_vreg.gather [hbm4b:s7+s3], $0x80, v4, vm0, $0xb8;
	[tilespmem:$0x1E200] =	vst v63  }
0x23d: {  	s11 =	simm.s32 $0x2200  }
0x23e: {  	[tilespmem:s11], [sflag:$0x1] =	stream.indirect_vreg.gather [hbm4b:s2+s3], $0x80, v3, vm0, $0xb8;
	[tilespmem:$0x1E200] =	vst v63  }
0x23f: {  	s12 =	simm.s32 $0x2A00  }
0x240: {  	[tilespmem:s12], [sflag:$0x1] =	stream.indirect_vreg.gather [hbm4b:s5+s3], $0x80, v3, vm0, $0xb8;
	[tilespmem:$0x1E200] =	vst v63  }
0x241: {  	s13 =	simm.s32 $0x3200  }
0x242: {  	[tilespmem:s13], [sflag:$0x1] =	stream.indirect_vreg.gather [hbm4b:s6+s3], $0x80, v3, vm0, $0xb8;
	[tilespmem:$0x1E200] =	vst v63  }
0x243: {  	s14 =	simm.s32 $0x3A00  }
0x244: {  	[tilespmem:s14], [sflag:$0x1] =	stream.indirect_vreg.gather [hbm4b:s7+s3], $0x80, v3, vm0, $0xb8;
	[tilespmem:$0x1E200] =	vst v63  }
0x245: {  	v3 =	vld [tilespmem:$0x178];
	_ =	sdelay $0x4  }
0x246: {  	v55 =	vshll.u32 v3, $0x3  }
0x247: {  	v3 =	vand.u32 $0x7, v3;
	v4 =	vand.u32 $0xFFFFFFC0, v55  }
0x248: {  	v3 =	vor.u32 v3, v4  }
0x249: {  	v4 =	vperm.xlane v3, v0;
	_ =	sdelay $0x1  }
0x24a: {  	v4 =	vadd.s32 v1, v4;
	_ =	sdelay $0x3  }
0x24b: {  	s24 =	simm.s32 $0x4200  }
0x24c: {  	[tilespmem:s24], [sflag:$0x1] =	stream.indirect_vreg.gather [hbm4b:s2+s3], $0x80, v4, vm0, $0xb8;
	[tilespmem:$0x1E200] =	vst v63  }
0x24d: {  	s23 =	simm.s32 $0x4A00;
	v3 =	vperm.xlane v3, v2  }
0x24e: {  	[tilespmem:s23], [sflag:$0x1] =	stream.indirect_vreg.gather [hbm4b:s5+s3], $0x80, v4, vm0, $0xb8;
	[tilespmem:$0x1E200] =	vst v63  }
0x24f: {  	s26 =	simm.s32 $0x5200;
	v3 =	vadd.s32 v1, v3  }
0x250: {  	[tilespmem:s26], [sflag:$0x1] =	stream.indirect_vreg.gather [hbm4b:s6+s3], $0x80, v4, vm0, $0xb8;
	[tilespmem:$0x1E200] =	vst v63  }
0x251: {  	s15 =	simm.s32 $0x5A00  }
0x252: {  	[tilespmem:s15], [sflag:$0x1] =	stream.indirect_vreg.gather [hbm4b:s7+s3], $0x80, v4, vm0, $0xb8;
	[tilespmem:$0x1E200] =	vst v63  }
0x253: {  	s16 =	simm.s32 $0x6200  }
0x254: {  	[tilespmem:s16], [sflag:$0x1] =	stream.indirect_vreg.gather [hbm4b:s2+s3], $0x80, v3, vm0, $0xb8;
	[tilespmem:$0x1E200] =	vst v63  }
0x255: {  	s17 =	simm.s32 $0x6A00  }
0x256: {  	[tilespmem:s17], [sflag:$0x1] =	stream.indirect_vreg.gather [hbm4b:s5+s3], $0x80, v3, vm0, $0xb8;
	[tilespmem:$0x1E200] =	vst v63  }
0x257: {  	s18 =	simm.s32 $0x7200  }
0x258: {  	[tilespmem:s18], [sflag:$0x1] =	stream.indirect_vreg.gather [hbm4b:s6+s3], $0x80, v3, vm0, $0xb8;
	[tilespmem:$0x1E200] =	vst v63  }
0x259: {  	s28 =	simm.s32 $0x7A00  }
0x25a: {  	[tilespmem:s28], [sflag:$0x1] =	stream.indirect_vreg.gather [hbm4b:s7+s3], $0x80, v3, vm0, $0xb8;
	[tilespmem:$0x1E200] =	vst v63  }
0x25b: {  	v3 =	vld [tilespmem:$0x188];
	_ =	sdelay $0x4  }
0x25c: {  	v56 =	vshll.u32 v3, $0x3  }
0x25d: {  	v3 =	vand.u32 $0x7, v3;
	v4 =	vand.u32 $0xFFFFFFC0, v56  }
0x25e: {  	v3 =	vor.u32 v3, v4  }
0x25f: {  	v4 =	vperm.xlane v3, v0;
	_ =	sdelay $0x1  }
0x260: {  	v4 =	vadd.s32 v1, v4;
	_ =	sdelay $0x3  }
0x261: {  	s28 =	simm.s32 $0x8200  }
0x262: {  	[tilespmem:s28], [sflag:$0x1] =	stream.indirect_vreg.gather [hbm4b:s2+s3], $0x80, v4, vm0, $0xb8;
	[tilespmem:$0x1E200] =	vst v63  }
0x263: {  	s24 =	simm.s32 $0x8A00;
	v3 =	vperm.xlane v3, v2  }
0x264: {  	[tilespmem:s24], [sflag:$0x1] =	stream.indirect_vreg.gather [hbm4b:s5+s3], $0x80, v4, vm0, $0xb8;
	[tilespmem:$0x1E200] =	vst v63  }
0x265: {  	s26 =	simm.s32 $0x9200;
	v3 =	vadd.s32 v1, v3  }
0x266: {  	[tilespmem:s26], [sflag:$0x1] =	stream.indirect_vreg.gather [hbm4b:s6+s3], $0x80, v4, vm0, $0xb8;
	[tilespmem:$0x1E200] =	vst v63  }
0x267: {  	s28 =	simm.s32 $0x9A00  }
0x268: {  	[tilespmem:s28], [sflag:$0x1] =	stream.indirect_vreg.gather [hbm4b:s7+s3], $0x80, v4, vm0, $0xb8;
	[tilespmem:$0x1E200] =	vst v63  }
0x269: {  	s24 =	simm.s32 $0xA200  }
0x26a: {  	[tilespmem:s24], [sflag:$0x1] =	stream.indirect_vreg.gather [hbm4b:s2+s3], $0x80, v3, vm0, $0xb8;
	[tilespmem:$0x1E200] =	vst v63  }
0x26b: {  	s26 =	simm.s32 $0xAA00  }
0x26c: {  	[tilespmem:s26], [sflag:$0x1] =	stream.indirect_vreg.gather [hbm4b:s5+s3], $0x80, v3, vm0, $0xb8;
	[tilespmem:$0x1E200] =	vst v63  }
0x26d: {  	s28 =	simm.s32 $0xB200  }
0x26e: {  	[tilespmem:s28], [sflag:$0x1] =	stream.indirect_vreg.gather [hbm4b:s6+s3], $0x80, v3, vm0, $0xb8;
	[tilespmem:$0x1E200] =	vst v63  }
0x26f: {  	s24 =	simm.s32 $0xBA00  }
0x270: {  	[tilespmem:s24], [sflag:$0x1] =	stream.indirect_vreg.gather [hbm4b:s7+s3], $0x80, v3, vm0, $0xb8;
	[tilespmem:$0x1E200] =	vst v63  }
0x271: {  	v3 =	vld [tilespmem:$0x198];
	_ =	sdelay $0x4  }
0x272: {  	v57 =	vshll.u32 v3, $0x3  }
0x273: {  	v3 =	vand.u32 $0x7, v3;
	v4 =	vand.u32 $0xFFFFFFC0, v57  }
0x274: {  	v3 =	vor.u32 v3, v4  }
0x275: {  	v4 =	vperm.xlane v3, v0;
	_ =	sdelay $0x1  }
0x276: {  	v4 =	vadd.s32 v1, v4;
	_ =	sdelay $0x3  }
0x277: {  	s26 =	simm.s32 $0xC200  }
0x278: {  	[tilespmem:s26], [sflag:$0x1] =	stream.indirect_vreg.gather [hbm4b:s2+s3], $0x80, v4, vm0, $0xb8;
	[tilespmem:$0x1E200] =	vst v63  }
0x279: {  	s28 =	simm.s32 $0xCA00;
	v3 =	vperm.xlane v3, v2  }
0x27a: {  	[tilespmem:s28], [sflag:$0x1] =	stream.indirect_vreg.gather [hbm4b:s5+s3], $0x80, v4, vm0, $0xb8;
	[tilespmem:$0x1E200] =	vst v63  }
0x27b: {  	s24 =	simm.s32 $0xD200;
	v3 =	vadd.s32 v1, v3  }
0x27c: {  	[tilespmem:s24], [sflag:$0x1] =	stream.indirect_vreg.gather [hbm4b:s6+s3], $0x80, v4, vm0, $0xb8;
	[tilespmem:$0x1E200] =	vst v63  }
0x27d: {  	s26 =	simm.s32 $0xDA00  }
0x27e: {  	[tilespmem:s26], [sflag:$0x1] =	stream.indirect_vreg.gather [hbm4b:s7+s3], $0x80, v4, vm0, $0xb8;
	[tilespmem:$0x1E200] =	vst v63  }
0x27f: {  	s28 =	simm.s32 $0xE200  }
0x280: {  	[tilespmem:s28], [sflag:$0x1] =	stream.indirect_vreg.gather [hbm4b:s2+s3], $0x80, v3, vm0, $0xb8;
	[tilespmem:$0x1E200] =	vst v63  }
0x281: {  	s24 =	simm.s32 $0xEA00  }
0x282: {  	[tilespmem:s24], [sflag:$0x1] =	stream.indirect_vreg.gather [hbm4b:s5+s3], $0x80, v3, vm0, $0xb8;
	[tilespmem:$0x1E200] =	vst v63  }
0x283: {  	s26 =	simm.s32 $0xF200  }
0x284: {  	[tilespmem:s26], [sflag:$0x1] =	stream.indirect_vreg.gather [hbm4b:s6+s3], $0x80, v3, vm0, $0xb8;
	[tilespmem:$0x1E200] =	vst v63  }
0x285: {  	s28 =	simm.s32 $0xFA00  }
0x286: {  	[tilespmem:s28], [sflag:$0x1] =	stream.indirect_vreg.gather [hbm4b:s7+s3], $0x80, v3, vm0, $0xb8;
	[tilespmem:$0x1E200] =	vst v63  }
0x287: {  	_ =	swait.ge [sflag:s31], $0xE000  }
0x288: {  	[sflag:s31] =	ssyncset.done $0x0  }
0x289: {  	s24 =	rddreg [dreg:$0x9];
	[sflag:s31] =	ssyncadd.s32 $0xFFFF2000  }
0x28a: {  	[hbm4b:s24+s3] =	stream.linear.scatter [tilespmem:s4], [sflag:$0x4], $0xE000, $0x38;
	[tilespmem:$0x1E200] =	vst v63  }
0x28b: {  	_ =	swait.ge [sflag:s0], $0xE000  }
0x28c: {  	[sflag:s0] =	ssyncset.done $0x0  }
0x28d: {  	[sflag:s0] =	ssyncadd.s32 $0xFFFF2000  }
0x28e: {  	v3 =	vld [tilespmem:$0x1A8];
	_ =	sdelay $0x4  }
0x28f: {  	v58 =	vshll.u32 v3, $0x3  }
0x290: {  	v3 =	vand.u32 $0x7, v3;
	v4 =	vand.u32 $0xFFFFFFC0, v58  }
0x291: {  	v3 =	vor.u32 v3, v4  }
0x292: {  	v4 =	vperm.xlane v3, v0;
	_ =	sdelay $0x1  }
0x293: {  	v4 =	vadd.s32 v1, v4;
	_ =	sdelay $0x4  }
0x294: {  	[tilespmem:s4], [sflag:$0x2] =	stream.indirect_vreg.gather [hbm4b:s2+s3], $0x80, v4, vm0, $0xb8;
	[tilespmem:$0x1E200] =	vst v63  }
0x295: {  	s26 =	simm.s32 $0x10A00;
	v3 =	vperm.xlane v3, v2  }
0x296: {  	[tilespmem:s26], [sflag:$0x2] =	stream.indirect_vreg.gather [hbm4b:s5+s3], $0x80, v4, vm0, $0xb8;
	[tilespmem:$0x1E200] =	vst v63  }
0x297: {  	s19 =	simm.s32 $0x11200;
	v3 =	vadd.s32 v1, v3  }
0x298: {  	[tilespmem:s19], [sflag:$0x2] =	stream.indirect_vreg.gather [hbm4b:s6+s3], $0x80, v4, vm0, $0xb8;
	[tilespmem:$0x1E200] =	vst v63  }
0x299: {  	s28 =	simm.s32 $0x11A00  }
0x29a: {  	[tilespmem:s28], [sflag:$0x2] =	stream.indirect_vreg.gather [hbm4b:s7+s3], $0x80, v4, vm0, $0xb8;
	[tilespmem:$0x1E200] =	vst v63  }
0x29b: {  	s19 =	simm.s32 $0x12200  }
0x29c: {  	[tilespmem:s19], [sflag:$0x2] =	stream.indirect_vreg.gather [hbm4b:s2+s3], $0x80, v3, vm0, $0xb8;
	[tilespmem:$0x1E200] =	vst v63  }
0x29d: {  	s24 =	simm.s32 $0x12A00  }
0x29e: {  	[tilespmem:s24], [sflag:$0x2] =	stream.indirect_vreg.gather [hbm4b:s5+s3], $0x80, v3, vm0, $0xb8;
	[tilespmem:$0x1E200] =	vst v63  }
0x29f: {  	s26 =	simm.s32 $0x13200  }
0x2a0: {  	[tilespmem:s26], [sflag:$0x2] =	stream.indirect_vreg.gather [hbm4b:s6+s3], $0x80, v3, vm0, $0xb8;
	[tilespmem:$0x1E200] =	vst v63  }
0x2a1: {  	s28 =	simm.s32 $0x13A00  }
0x2a2: {  	[tilespmem:s28], [sflag:$0x2] =	stream.indirect_vreg.gather [hbm4b:s7+s3], $0x80, v3, vm0, $0xb8;
	[tilespmem:$0x1E200] =	vst v63  }
0x2a3: {  	v3 =	vld [tilespmem:$0x1B8];
	_ =	sdelay $0x4  }
0x2a4: {  	v59 =	vshll.u32 v3, $0x3  }
0x2a5: {  	v3 =	vand.u32 $0x7, v3;
	v4 =	vand.u32 $0xFFFFFFC0, v59  }
0x2a6: {  	v3 =	vor.u32 v3, v4  }
0x2a7: {  	v4 =	vperm.xlane v3, v0;
	_ =	sdelay $0x1  }
0x2a8: {  	v4 =	vadd.s32 v1, v4;
	_ =	sdelay $0x3  }
0x2a9: {  	s19 =	simm.s32 $0x14200  }
0x2aa: {  	[tilespmem:s19], [sflag:$0x2] =	stream.indirect_vreg.gather [hbm4b:s2+s3], $0x80, v4, vm0, $0xb8;
	[tilespmem:$0x1E200] =	vst v63  }
0x2ab: {  	s24 =	simm.s32 $0x14A00;
	v3 =	vperm.xlane v3, v2  }
0x2ac: {  	[tilespmem:s24], [sflag:$0x2] =	stream.indirect_vreg.gather [hbm4b:s5+s3], $0x80, v4, vm0, $0xb8;
	[tilespmem:$0x1E200] =	vst v63  }
0x2ad: {  	s26 =	simm.s32 $0x15200;
	v3 =	vadd.s32 v1, v3  }
0x2ae: {  	[tilespmem:s26], [sflag:$0x2] =	stream.indirect_vreg.gather [hbm4b:s6+s3], $0x80, v4, vm0, $0xb8;
	[tilespmem:$0x1E200] =	vst v63  }
0x2af: {  	s28 =	simm.s32 $0x15A00  }
0x2b0: {  	[tilespmem:s28], [sflag:$0x2] =	stream.indirect_vreg.gather [hbm4b:s7+s3], $0x80, v4, vm0, $0xb8;
	[tilespmem:$0x1E200] =	vst v63  }
0x2b1: {  	s19 =	simm.s32 $0x16200  }
0x2b2: {  	[tilespmem:s19], [sflag:$0x2] =	stream.indirect_vreg.gather [hbm4b:s2+s3], $0x80, v3, vm0, $0xb8;
	[tilespmem:$0x1E200] =	vst v63  }
0x2b3: {  	s24 =	simm.s32 $0x16A00  }
0x2b4: {  	[tilespmem:s24], [sflag:$0x2] =	stream.indirect_vreg.gather [hbm4b:s5+s3], $0x80, v3, vm0, $0xb8;
	[tilespmem:$0x1E200] =	vst v63  }
0x2b5: {  	s26 =	simm.s32 $0x17200  }
0x2b6: {  	[tilespmem:s26], [sflag:$0x2] =	stream.indirect_vreg.gather [hbm4b:s6+s3], $0x80, v3, vm0, $0xb8;
	[tilespmem:$0x1E200] =	vst v63  }
0x2b7: {  	s28 =	simm.s32 $0x17A00  }
0x2b8: {  	[tilespmem:s28], [sflag:$0x2] =	stream.indirect_vreg.gather [hbm4b:s7+s3], $0x80, v3, vm0, $0xb8;
	[tilespmem:$0x1E200] =	vst v63  }
0x2b9: {  	v3 =	vld [tilespmem:$0x1C8];
	_ =	sdelay $0x4  }
0x2ba: {  	v60 =	vshll.u32 v3, $0x3  }
0x2bb: {  	v3 =	vand.u32 $0x7, v3;
	v4 =	vand.u32 $0xFFFFFFC0, v60  }
0x2bc: {  	v3 =	vor.u32 v3, v4  }
0x2bd: {  	v4 =	vperm.xlane v3, v0;
	_ =	sdelay $0x1  }
0x2be: {  	v4 =	vadd.s32 v1, v4;
	_ =	sdelay $0x3  }
0x2bf: {  	s19 =	simm.s32 $0x18200  }
0x2c0: {  	[tilespmem:s19], [sflag:$0x2] =	stream.indirect_vreg.gather [hbm4b:s2+s3], $0x80, v4, vm0, $0xb8;
	[tilespmem:$0x1E200] =	vst v63  }
0x2c1: {  	s24 =	simm.s32 $0x18A00;
	v3 =	vperm.xlane v3, v2  }
0x2c2: {  	[tilespmem:s24], [sflag:$0x2] =	stream.indirect_vreg.gather [hbm4b:s5+s3], $0x80, v4, vm0, $0xb8;
	[tilespmem:$0x1E200] =	vst v63  }
0x2c3: {  	s26 =	simm.s32 $0x19200;
	v3 =	vadd.s32 v1, v3  }
0x2c4: {  	[tilespmem:s26], [sflag:$0x2] =	stream.indirect_vreg.gather [hbm4b:s6+s3], $0x80, v4, vm0, $0xb8;
	[tilespmem:$0x1E200] =	vst v63  }
0x2c5: {  	s28 =	simm.s32 $0x19A00  }
0x2c6: {  	[tilespmem:s28], [sflag:$0x2] =	stream.indirect_vreg.gather [hbm4b:s7+s3], $0x80, v4, vm0, $0xb8;
	[tilespmem:$0x1E200] =	vst v63  }
0x2c7: {  	s19 =	simm.s32 $0x1A200  }
0x2c8: {  	[tilespmem:s19], [sflag:$0x2] =	stream.indirect_vreg.gather [hbm4b:s2+s3], $0x80, v3, vm0, $0xb8;
	[tilespmem:$0x1E200] =	vst v63  }
0x2c9: {  	s24 =	simm.s32 $0x1AA00  }
0x2ca: {  	[tilespmem:s24], [sflag:$0x2] =	stream.indirect_vreg.gather [hbm4b:s5+s3], $0x80, v3, vm0, $0xb8;
	[tilespmem:$0x1E200] =	vst v63  }
0x2cb: {  	s26 =	simm.s32 $0x1B200  }
0x2cc: {  	[tilespmem:s26], [sflag:$0x2] =	stream.indirect_vreg.gather [hbm4b:s6+s3], $0x80, v3, vm0, $0xb8;
	[tilespmem:$0x1E200] =	vst v63  }
0x2cd: {  	s28 =	simm.s32 $0x1BA00  }
0x2ce: {  	[tilespmem:s28], [sflag:$0x2] =	stream.indirect_vreg.gather [hbm4b:s7+s3], $0x80, v3, vm0, $0xb8;
	[tilespmem:$0x1E200] =	vst v63  }
0x2cf: {  	v3 =	vld.msk [tilespmem:$0x1D8], $0xff;
	_ =	sdelay $0x4  }
0x2d0: {  	v61 =	vshll.u32 v3, $0x3  }
0x2d1: {  	v3 =	vand.u32 $0x7, v3;
	v4 =	vand.u32 $0xFFFFFFC0, v61  }
0x2d2: {  	v3 =	vor.u32 v3, v4  }
0x2d3: {  	v3 =	vperm.xlane v3, v0;
	_ =	sdelay $0x1  }
0x2d4: {  	v3 =	vadd.s32 v1, v3;
	_ =	sdelay $0x3  }
0x2d5: {  	s19 =	simm.s32 $0x1C200  }
0x2d6: {  	[tilespmem:s19], [sflag:$0x2] =	stream.indirect_vreg.gather [hbm4b:s2+s3], $0x80, v3, vm0, $0xb8;
	[tilespmem:$0x1E200] =	vst v63  }
0x2d7: {  	s24 =	simm.s32 $0x1CA00  }
0x2d8: {  	[tilespmem:s24], [sflag:$0x2] =	stream.indirect_vreg.gather [hbm4b:s5+s3], $0x80, v3, vm0, $0xb8;
	[tilespmem:$0x1E200] =	vst v63  }
0x2d9: {  	s26 =	simm.s32 $0x1D200  }
0x2da: {  	[tilespmem:s26], [sflag:$0x2] =	stream.indirect_vreg.gather [hbm4b:s6+s3], $0x80, v3, vm0, $0xb8;
	[tilespmem:$0x1E200] =	vst v63  }
0x2db: {  	s28 =	simm.s32 $0x1DA00  }
0x2dc: {  	[tilespmem:s28], [sflag:$0x2] =	stream.indirect_vreg.gather [hbm4b:s7+s3], $0x80, v3, vm0, $0xb8;
	[tilespmem:$0x1E200] =	vst v63  }
0x2dd: {  	_ =	swait.ge [sflag:s29], $0x10000  }
0x2de: {  	[sflag:s29] =	ssyncset.done $0x0  }
0x2df: {  	s19 =	rddreg [dreg:$0xa];
	[sflag:s29] =	ssyncadd.s32 $0xFFFF0000  }
0x2e0: {  	[hbm4b:s19+s3] =	stream.linear.scatter [tilespmem:s9], [sflag:$0x3], $0x10000, $0x38;
	[tilespmem:$0x1E200] =	vst v63  }
0x2e1: {  	_ =	swait.ge [sflag:s30], $0x10000  }
0x2e2: {  	[sflag:s30] =	ssyncset.done $0x0  }
0x2e3: {  	[sflag:s30] =	ssyncadd.s32 $0xFFFF0000  }
0x2e4: {  	v3 =	vld [tilespmem:$0x1E0];
	_ =	sdelay $0x4  }
0x2e5: {  	v62 =	vshll.u32 v3, $0x3  }
0x2e6: {  	v3 =	vand.u32 $0x7, v3;
	v4 =	vand.u32 $0xFFFFFFC0, v62  }
0x2e7: {  	v3 =	vor.u32 v3, v4  }
0x2e8: {  	v4 =	vperm.xlane v3, v0;
	_ =	sdelay $0x1  }
0x2e9: {  	v4 =	vadd.s32 v1, v4;
	_ =	sdelay $0x4  }
0x2ea: {  	[tilespmem:s9], [sflag:$0x1] =	stream.indirect_vreg.gather [hbm4b:s2+s3], $0x80, v4, vm0, $0xb8;
	[tilespmem:$0x1E200] =	vst v63  }
0x2eb: {  	s22 =	simm.s32 $0xA00;
	v3 =	vperm.xlane v3, v2  }
0x2ec: {  	[tilespmem:s22], [sflag:$0x1] =	stream.indirect_vreg.gather [hbm4b:s5+s3], $0x80, v4, vm0, $0xb8;
	[tilespmem:$0x1E200] =	vst v63  }
0x2ed: {  	s20 =	simm.s32 $0x1200;
	v3 =	vadd.s32 v1, v3  }
0x2ee: {  	[tilespmem:s20], [sflag:$0x1] =	stream.indirect_vreg.gather [hbm4b:s6+s3], $0x80, v4, vm0, $0xb8;
	[tilespmem:$0x1E200] =	vst v63  }
0x2ef: {  	s24 =	simm.s32 $0x1A00  }
0x2f0: {  	[tilespmem:s24], [sflag:$0x1] =	stream.indirect_vreg.gather [hbm4b:s7+s3], $0x80, v4, vm0, $0xb8;
	[tilespmem:$0x1E200] =	vst v63  }
0x2f1: {  	s10 =	simm.s32 $0x2200  }
0x2f2: {  	[tilespmem:s10], [sflag:$0x1] =	stream.indirect_vreg.gather [hbm4b:s2+s3], $0x80, v3, vm0, $0xb8;
	[tilespmem:$0x1E200] =	vst v63  }
0x2f3: {  	s11 =	simm.s32 $0x2A00  }
0x2f4: {  	[tilespmem:s11], [sflag:$0x1] =	stream.indirect_vreg.gather [hbm4b:s5+s3], $0x80, v3, vm0, $0xb8;
	[tilespmem:$0x1E200] =	vst v63  }
0x2f5: {  	s12 =	simm.s32 $0x3200  }
0x2f6: {  	[tilespmem:s12], [sflag:$0x1] =	stream.indirect_vreg.gather [hbm4b:s6+s3], $0x80, v3, vm0, $0xb8;
	[tilespmem:$0x1E200] =	vst v63  }
0x2f7: {  	s13 =	simm.s32 $0x3A00  }
0x2f8: {  	[tilespmem:s13], [sflag:$0x1] =	stream.indirect_vreg.gather [hbm4b:s7+s3], $0x80, v3, vm0, $0xb8;
	[tilespmem:$0x1E200] =	vst v63  }
0x2f9: {  	v3 =	vld [tilespmem:$0x1F0];
	_ =	sdelay $0x4  }
0x2fa: {  	v63 =	vshll.u32 v3, $0x3  }
0x2fb: {  	v3 =	vand.u32 $0x7, v3;
	v4 =	vand.u32 $0xFFFFFFC0, v63  }
0x2fc: {  	v3 =	vor.u32 v3, v4  }
0x2fd: {  	v4 =	vperm.xlane v3, v0;
	_ =	sdelay $0x1  }
0x2fe: {  	v4 =	vadd.s32 v1, v4;
	_ =	sdelay $0x3  }
0x2ff: {  	s21 =	simm.s32 $0x4200  }
0x300: {  	[tilespmem:s21], [sflag:$0x1] =	stream.indirect_vreg.gather [hbm4b:s2+s3], $0x80, v4, vm0, $0xb8;
	[tilespmem:$0x1E200] =	vst v63  }
0x301: {  	s25 =	simm.s32 $0x4A00;
	v3 =	vperm.xlane v3, v2  }
0x302: {  	[tilespmem:s25], [sflag:$0x1] =	stream.indirect_vreg.gather [hbm4b:s5+s3], $0x80, v4, vm0, $0xb8;
	[tilespmem:$0x1E200] =	vst v63  }
0x303: {  	s23 =	simm.s32 $0x5200;
	v3 =	vadd.s32 v1, v3  }
0x304: {  	[tilespmem:s23], [sflag:$0x1] =	stream.indirect_vreg.gather [hbm4b:s6+s3], $0x80, v4, vm0, $0xb8;
	[tilespmem:$0x1E200] =	vst v63  }
0x305: {  	s14 =	simm.s32 $0x5A00  }
0x306: {  	[tilespmem:s14], [sflag:$0x1] =	stream.indirect_vreg.gather [hbm4b:s7+s3], $0x80, v4, vm0, $0xb8;
	[tilespmem:$0x1E200] =	vst v63  }
0x307: {  	s15 =	simm.s32 $0x6200  }
0x308: {  	[tilespmem:s15], [sflag:$0x1] =	stream.indirect_vreg.gather [hbm4b:s2+s3], $0x80, v3, vm0, $0xb8;
	[tilespmem:$0x1E200] =	vst v63  }
0x309: {  	s16 =	simm.s32 $0x6A00  }
0x30a: {  	[tilespmem:s16], [sflag:$0x1] =	stream.indirect_vreg.gather [hbm4b:s5+s3], $0x80, v3, vm0, $0xb8;
	[tilespmem:$0x1E200] =	vst v63  }
0x30b: {  	s17 =	simm.s32 $0x7200  }
0x30c: {  	[tilespmem:s17], [sflag:$0x1] =	stream.indirect_vreg.gather [hbm4b:s6+s3], $0x80, v3, vm0, $0xb8;
	[tilespmem:$0x1E200] =	vst v63  }
0x30d: {  	s18 =	simm.s32 $0x7A00  }
0x30e: {  	[tilespmem:s18], [sflag:$0x1] =	stream.indirect_vreg.gather [hbm4b:s7+s3], $0x80, v3, vm0, $0xb8;
	[tilespmem:$0x1E200] =	vst v63  }
0x30f: {  	_ =	swait.ge [sflag:s31], $0xE000  }
0x310: {  	[sflag:s31] =	ssyncset.done $0x0  }
0x311: {  	s26 =	rddreg [dreg:$0xb];
	[sflag:s31] =	ssyncadd.s32 $0xFFFF2000  }
0x312: {  	[hbm4b:s26+s3] =	stream.linear.scatter [tilespmem:s4], [sflag:$0x4], $0xE000, $0x38;
	[tilespmem:$0x1E200] =	vst v63  }
0x313: {  	_ =	swait.ge [sflag:s29], $0x8000  }
0x314: {  	[sflag:s29] =	ssyncset.done $0x0  }
0x315: {  	s28 =	rddreg [dreg:$0xc];
	[sflag:s29] =	ssyncadd.s32 $0xFFFF8000  }
0x316: {  	[hbm4b:s28+s3] =	stream.linear.scatter [tilespmem:s9], [sflag:$0x3], $0x8000, $0x38;
	[tilespmem:$0x1E200] =	vst v63  }
0x317: {  	p0 =	sne.s32 s8, $0x1;
	_ =	swait.ge [sflag:s0], $0xE000  }
.Ltmp0:
0x318: {  	[sflag:s0] =	ssyncset.done $0x0;
	(pc) =	sbr.rel @p0 .LBB2_1-.Ltmp0, $4  }
0x319: {  	[sflag:s0] =	ssyncadd.s32 $0xFFFF2000  }
0x31a: {  	_ =	swait.ge [sflag:s30], $0x8000  }
0x31b: {  	[sflag:s30] =	ssyncset.done $0x0  }
0x31c: {  	s8 =	sadd.s32 $0xFFFFFFFF, s8;
	[sflag:s30] =	ssyncadd.s32 $0xFFFF8000  }
0x31d: {  	_ =	sfence.sel $0x180000  }
0x31e: {  	[bflag:$0x0] =	sbarrier.arrive $0xFFFF  }
0x31f: {  	_ =	strace $0x90000047  }
0x320: {  	s0 =	stileid.u32;
	[bflag:$0x2] =	sbarrier.arrive $0xFFFF  }
0x321: {  	p0 =	sne.s32 s0, $0x0;
	s0 =	rddreg [dreg:$0x3]  }
0x322: {  	s0 =	sadd.s32 @!p0 $0x100000, s0  }
0x323: {  	[sflag:s0] =	ssyncadd.tile.s32 @!p0 $0x1;
	_ =	shalt  }
.Lfunc_end2:
_tile_overlayer_lowered:
.L_overlay_start_2:
0x324: {  	(tag) =	ssettag $0x2  }
0x325: {  	s0 =	rddreg [dreg:$0x0];
	s2 =	stileid.u32  }
0x326: {  	s1 =	rddreg [dreg:$0x1];
	p0 =	sne.s32 s2, $0x0  }
0x327: {  	s3 =	rddreg [dreg:$0x2];
	[bflag:$0x3] =	sbarrier.arrive $0xFFFF;
	s2 =	simm.s32 @!p0 $0x1C05  }
0x328: {  	[timem:s3], [sflag:s2] =	dma.local @!p0 [hbm:s0], s1  }
0x329: {  	s0 =	simm.s32 @!p0 $0x5  }
0x32a: {  	_ =	swait.ge @!p0 [sflag:s0], s1  }
0x32b: {  	s1 =	ssub.s32 @!p0 $0x0, s1;
	[sflag:s0] =	ssyncset.done @!p0 $0x0  }
0x32c: {  	[sflag:s0] =	ssyncadd.s32 @!p0 s1  }
0x32d: {  	[bflag:$0x3] =	sbarrier.arrive $0xFFFF  }
0x32e: {  	_ =	shalt  }

</sc_bundles>
